<compile_context>
chip_gen: v7x
topology: tpu7x:2x2x1
jax: 0.10.2.dev20260603
libtpu: 0.0.44.dev20260713+nightly
codegen_flags: <defaults>
</compile_context>

<pallas_src>
import functools

import jax
import jax.numpy as jnp
from jax import lax
from jax.experimental import pallas as pl
from jax.experimental.pallas import tpu as pltpu
from jax.experimental.pallas import tpu_sc as plsc

N = 10000
E = 320000
D = 128
D_EDGE = 16
HID2 = 256
OUT = 128

NC = 2
NS = 16
NW = NC * NS
EPW = E // NW
CHUNK = 80
NCHUNK = EPW // CHUNK
N_PAD = 10240
ROWS_PER_TILE = N_PAD // NS


def _pack_bf16_pair(x):
    lo = jax.lax.bitcast_convert_type(
        x[:, :HID2 // 2].astype(jnp.bfloat16), jnp.uint16).astype(jnp.uint32)
    hi = jax.lax.bitcast_convert_type(
        x[:, HID2 // 2:].astype(jnp.bfloat16), jnp.uint16).astype(jnp.uint32)
    return jax.lax.bitcast_convert_type((hi << 16) | lo, jnp.int32)


def _k1_body(coords, w1a, w1b, p1, p2):
    c = coords[...]
    p1[...] = _pack_bf16_pair(
        jnp.dot(c, w1a[...], preferred_element_type=jnp.float32))
    p2[...] = _pack_bf16_pair(
        jnp.dot(c, w1b[...], preferred_element_type=jnp.float32))


def _project(coords, w1a, w1b):
    blk = 1000
    return pl.pallas_call(
        _k1_body,
        grid=(N // blk,),
        in_specs=[
            pl.BlockSpec((blk, D), lambda i: (i, 0)),
            pl.BlockSpec((D, HID2), lambda i: (0, 0)),
            pl.BlockSpec((D, HID2), lambda i: (0, 0)),
        ],
        out_specs=[
            pl.BlockSpec((blk, HID2 // 2), lambda i: (i, 0)),
            pl.BlockSpec((blk, HID2 // 2), lambda i: (i, 0)),
        ],
        out_shape=[
            jax.ShapeDtypeStruct((N, HID2 // 2), jnp.int32),
            jax.ShapeDtypeStruct((N, HID2 // 2), jnp.int32),
        ],
    )(coords, w1a, w1b)


def _k2_body(p1_hbm, p2_hbm, src_hbm, dst_hbm, g1_hbm, g2_hbm,
             idx1_v, idx2_v, buf1_v, buf2_v):
    wid = lax.axis_index("s") * NC + lax.axis_index("c")
    base = pl.multiple_of(wid * EPW, 8)

    def step(k, carry):
        off = pl.multiple_of(base + k * CHUNK, 8)
        pltpu.sync_copy(src_hbm.at[pl.ds(off, CHUNK)], idx1_v)
        pltpu.sync_copy(dst_hbm.at[pl.ds(off, CHUNK)], idx2_v)
        pltpu.sync_copy(p1_hbm.at[idx1_v], buf1_v)
        pltpu.sync_copy(p2_hbm.at[idx2_v], buf2_v)
        pltpu.sync_copy(buf1_v, g1_hbm.at[pl.ds(off, CHUNK)])
        pltpu.sync_copy(buf2_v, g2_hbm.at[pl.ds(off, CHUNK)])
        return carry

    lax.fori_loop(0, NCHUNK, step, 0)


def _gather(p1, p2, src, dst):
    mesh = plsc.VectorSubcoreMesh(core_axis_name="c", subcore_axis_name="s")
    f = functools.partial(
        pl.kernel,
        out_type=[
            jax.ShapeDtypeStruct((E, HID2 // 2), jnp.int32),
            jax.ShapeDtypeStruct((E, HID2 // 2), jnp.int32),
        ],
        mesh=mesh,
        scratch_types=[
            pltpu.VMEM((CHUNK,), jnp.int32),
            pltpu.VMEM((CHUNK,), jnp.int32),
            pltpu.VMEM((CHUNK, HID2 // 2), jnp.int32),
            pltpu.VMEM((CHUNK, HID2 // 2), jnp.int32),
        ],
    )(_k2_body)
    return f(p1, p2, src, dst)


def _unpack_lo(w):
    return jax.lax.bitcast_convert_type(w << 16, jnp.float32)


def _unpack_hi(w):
    return jax.lax.bitcast_convert_type(
        w & jnp.int32(-65536), jnp.float32)


def _k3_body(ea, g1, g2, mask, w1e, b1, w2, b2, out):
    H = HID2 // 2
    a = jnp.dot(ea[...], w1e[...], preferred_element_type=jnp.float32) + b1[...]
    g1w, g2w = g1[...], g2[...]
    m = mask[...]
    q_lo = a[:, :H] + _unpack_lo(g1w) + _unpack_lo(g2w)
    q_hi = a[:, H:] + _unpack_hi(g1w) + _unpack_hi(g2w)
    h_lo = jnp.maximum(q_lo, 0.0) * m
    h_hi = jnp.maximum(q_hi, 0.0) * m
    w2v = w2[...]
    out[...] = (jnp.dot(h_lo, w2v[:H], preferred_element_type=jnp.float32)
                + jnp.dot(h_hi, w2v[H:], preferred_element_type=jnp.float32)
                + m * b2[...])


def _edge_mlp(edge_attr, g1, g2, mask2d, w1e, b1, w2, b2):
    blk = 2000
    return pl.pallas_call(
        _k3_body,
        grid=(E // blk,),
        in_specs=[
            pl.BlockSpec((blk, D_EDGE), lambda i: (i, 0)),
            pl.BlockSpec((blk, HID2 // 2), lambda i: (i, 0)),
            pl.BlockSpec((blk, HID2 // 2), lambda i: (i, 0)),
            pl.BlockSpec((blk, 1), lambda i: (i, 0)),
            pl.BlockSpec((D_EDGE, HID2), lambda i: (0, 0)),
            pl.BlockSpec((1, HID2), lambda i: (0, 0)),
            pl.BlockSpec((HID2, OUT), lambda i: (0, 0)),
            pl.BlockSpec((1, OUT), lambda i: (0, 0)),
        ],
        out_specs=pl.BlockSpec((blk, OUT), lambda i: (i, 0)),
        out_shape=jax.ShapeDtypeStruct((E, OUT), jnp.float32),
    )(edge_attr, g1, g2, mask2d, w1e, b1, w2, b2)


def _k4_body(dst_hbm, msg_hbm, zeros_hbm, pacc_hbm,
             idx_v, rows_v, acc_spmem):
    c = lax.axis_index("c")
    s = lax.axis_index("s")
    zoff = pl.multiple_of(s * ROWS_PER_TILE, 8)
    pltpu.sync_copy(zeros_hbm, acc_spmem.at[pl.ds(zoff, ROWS_PER_TILE)])
    plsc.subcore_barrier()

    base = pl.multiple_of((c * NS + s) * EPW, 8)

    def step(k, carry):
        off = pl.multiple_of(base + k * CHUNK, 8)
        pltpu.sync_copy(dst_hbm.at[pl.ds(off, CHUNK)], idx_v)
        pltpu.sync_copy(msg_hbm.at[pl.ds(off, CHUNK)], rows_v)
        pltpu.sync_copy(rows_v, acc_spmem.at[idx_v], add=True)
        return carry

    lax.fori_loop(0, NCHUNK, step, 0)
    plsc.subcore_barrier()
    pltpu.sync_copy(acc_spmem.at[pl.ds(zoff, ROWS_PER_TILE)],
                    pacc_hbm.at[c, pl.ds(zoff, ROWS_PER_TILE)])


def _scatter(dst, msg, zeros):
    mesh = plsc.VectorSubcoreMesh(core_axis_name="c", subcore_axis_name="s")
    f = functools.partial(
        pl.kernel,
        out_type=jax.ShapeDtypeStruct((NC, N_PAD, OUT), jnp.float32),
        mesh=mesh,
        scratch_types=[
            pltpu.VMEM((CHUNK,), jnp.int32),
            pltpu.VMEM((CHUNK, OUT), jnp.float32),
            pltpu.VMEM_SHARED((N_PAD, OUT), jnp.float32),
        ],
    )(_k4_body)
    return f(dst, msg, zeros)


def _k5_body(pacc, out):
    p = pacc[...]
    out[...] = jnp.maximum(p[0] + p[1], 0.0)


def _finish(pacc):
    blk = 1000
    return pl.pallas_call(
        _k5_body,
        grid=(N // blk,),
        in_specs=[pl.BlockSpec((NC, blk, OUT), lambda i: (0, i, 0))],
        out_specs=pl.BlockSpec((blk, OUT), lambda i: (i, 0)),
        out_shape=jax.ShapeDtypeStruct((N, OUT), jnp.float32),
    )(pacc)


def kernel(coordinates, edge_attr, src, dst, non_fictitious,
           W1_src, b1_src, W2_src, b2_src,
           W1_dst, b1_dst, W2_dst, b2_dst):
    W1c = jnp.concatenate([W1_src, W1_dst], axis=1)
    b1c = jnp.concatenate([b1_src, b1_dst])[None, :]
    W2c = jnp.concatenate([W2_src, W2_dst], axis=0)
    b2c = (b2_src + b2_dst)[None, :]
    W1e = W1c[:D_EDGE]
    W1a = W1c[D_EDGE:D_EDGE + D]
    W1b = W1c[D_EDGE + D:]

    p1, p2 = _project(coordinates, W1a, W1b)
    g1, g2 = _gather(p1, p2, src, dst)
    msg = _edge_mlp(edge_attr, g1, g2, non_fictitious[:, None],
                    W1e, b1c, W2c, b2c)
    zeros = jnp.zeros((ROWS_PER_TILE, OUT), jnp.float32)
    pacc = _scatter(dst, msg, zeros)
    return _finish(pacc)

# --- scband reference (transcript-rebuilt; emitter-appended) ---
"""Pipeline reference for scband-local-sum-message-function-29910152250019 (READ-ONLY COPY).

The authoritative reference and input builder live on the scoring server;
editing this copy changes nothing except your own understanding.
"""

import jax, jax.numpy as jnp
import numpy as np

N = 10000
E = 320000
D = 128
D_EDGE = 16
HID = 128
OUT = 128
IN_SIZE = D_EDGE + 2 * D


def _mlp(x, W1, b1, W2, b2):
    h = jax.nn.relu(x @ W1 + b1)
    return h @ W2 + b2


def setup_inputs(seed: int = 0):
    key = jax.random.key(seed)
    ks = jax.random.split(key, 8)
    coordinates = jax.random.normal(ks[0], (N, D), dtype=jnp.float32)
    edge_attr = jax.random.normal(ks[1], (E, D_EDGE), dtype=jnp.float32)
    src = jax.random.randint(ks[2], (E,), 0, N, dtype=jnp.int32)
    dst = jax.random.randint(ks[3], (E,), 0, N, dtype=jnp.int32)
    non_fictitious = jnp.ones((E,), dtype=jnp.float32)
    s1 = 1.0 / np.sqrt(IN_SIZE)
    s2 = 1.0 / np.sqrt(HID)
    W1_src = jax.random.normal(ks[4], (IN_SIZE, HID), dtype=jnp.float32) * s1
    b1_src = jnp.zeros((HID,), dtype=jnp.float32)
    W2_src = jax.random.normal(ks[5], (HID, OUT), dtype=jnp.float32) * s2
    b2_src = jnp.zeros((OUT,), dtype=jnp.float32)
    W1_dst = jax.random.normal(ks[6], (IN_SIZE, HID), dtype=jnp.float32) * s1
    b1_dst = jnp.zeros((HID,), dtype=jnp.float32)
    W2_dst = jax.random.normal(ks[7], (HID, OUT), dtype=jnp.float32) * s2
    b2_dst = jnp.zeros((OUT,), dtype=jnp.float32)
    return {"coordinates": coordinates, "edge_attr": edge_attr, "src": src, "dst": dst,
            "non_fictitious": non_fictitious,
            "W1_src": W1_src, "b1_src": b1_src, "W2_src": W2_src, "b2_src": b2_src,
            "W1_dst": W1_dst, "b1_dst": b1_dst, "W2_dst": W2_dst, "b2_dst": b2_dst}


def reference(coordinates, edge_attr, src, dst, non_fictitious,
              W1_src, b1_src, W2_src, b2_src,
              W1_dst, b1_dst, W2_dst, b2_dst):
    # Single edge class with two ports ("src", "dst").
    # input_array = concat(edge features, gathered coords for each port)
    inp = jnp.concatenate([edge_attr,
                           jnp.take(coordinates, src, axis=0),
                           jnp.take(coordinates, dst, axis=0)], axis=-1)
    mask = non_fictitious[:, None]
    acc = jnp.zeros((coordinates.shape[0], OUT), dtype=coordinates.dtype)
    # NOTE: the original module leaks the loop variable `port_name` from the
    # input-building loop, so scatter_add for EVERY port uses the addresses of
    # the LAST port (here: dst). We reproduce that behavior faithfully.
    acc = acc.at[dst].add(_mlp(inp, W1_src, b1_src, W2_src, b2_src) * mask)
    acc = acc.at[dst].add(_mlp(inp, W1_dst, b1_dst, W2_dst, b2_dst) * mask)
    return jax.nn.relu(acc)

if __name__ == "__main__":
    import jax
    _d = setup_inputs()
    print(jax.jit(kernel)(*tuple(_d.values())))

</pallas_src>

<mosaic_0001>
#map = affine_map<(d0, d1) -> (0)>
#map1 = affine_map<(d0, d1) -> (0, 0)>
#map2 = affine_map<(d0, d1) -> (0, 0, 0)>
module attributes {stable_mosaic.version = 14 : i64} {
  func.func @_k4_body(%arg0: i32, %arg1: i32, %arg2: memref<320000xi32, #tpu.memory_space<hbm>>, %arg3: memref<320000x128xf32, #tpu.memory_space<hbm>>, %arg4: memref<640x128xf32, #tpu.memory_space<hbm>>, %arg5: memref<2x10240x128xf32, #tpu.memory_space<hbm>>, %arg6: memref<80xi32, #tpu.memory_space<vmem>>, %arg7: memref<80x128xf32, #tpu.memory_space<vmem>>, %arg8: memref<10240x128xf32, #tpu.memory_space<vmem_shared>>) attributes {dimension_semantics = [#tpu.dimension_semantics<core_parallel>, #tpu.dimension_semantics<subcore_parallel>], iteration_bounds = array<i64: 2, 16>, scalar_prefetch = 0 : i64, scratch_operands = 3 : i64, tpu.core_type = #tpu.core_type<sc_vector_subcore>, window_params = [{transform_indices = #map}, {transform_indices = #map1}, {transform_indices = #map1}, {transform_indices = #map2}]} {
    %mul3A = arith.constant 640 : i32
    %mul3A_0 = arith.muli %arg1, %mul3A : i32
    %multiple_of3A = tpu.assume_multiple %mul3A_0, 8 : i32
    "tpu.region"() ({
      %run_scoped3A = tpu.sem_alloc : memref<!tpu.dma_semaphore, #tpu.memory_space<semaphore_mem>>
      %dma_start3A = arith.constant 0 : i32
      %dma_start3A_12 = tpu.memref_slice %arg8[%multiple_of3A, %dma_start3A] : memref<10240x128xf32, #tpu.memory_space<vmem_shared>> -> memref<640x128xf32, #tpu.memory_space<vmem_shared>>
      tpu.enqueue_dma source(%arg4 : memref<640x128xf32, #tpu.memory_space<hbm>>) target(%dma_start3A_12 : memref<640x128xf32, #tpu.memory_space<vmem_shared>>) target_semaphore(%run_scoped3A : memref<!tpu.dma_semaphore, #tpu.memory_space<semaphore_mem>>)
      %dma_wait3A = arith.constant 0 : i32
      %dma_wait3A_13 = tpu.memref_slice %arg8[%multiple_of3A, %dma_wait3A] : memref<10240x128xf32, #tpu.memory_space<vmem_shared>> -> memref<640x128xf32, #tpu.memory_space<vmem_shared>>
      tpu.wait_dma2 semaphore(%run_scoped3A : memref<!tpu.dma_semaphore, #tpu.memory_space<semaphore_mem>>) src(%arg4 : memref<640x128xf32, #tpu.memory_space<hbm>>) dst(%dma_wait3A_13 : memref<640x128xf32, #tpu.memory_space<vmem_shared>>)
      tpu.yield
    }) : () -> ()
    %barrier3A = arith.constant 0 : index
    tpu.barrier barrier_id(%barrier3A)
    %mul3A_1 = arith.constant 16 : i32
    %mul3A_2 = arith.muli %arg0, %mul3A_1 : i32
    %add3A = arith.addi %mul3A_2, %arg1 : i32
    %mul3A_3 = arith.constant 10000 : i32
    %mul3A_4 = arith.muli %add3A, %mul3A_3 : i32
    %multiple_of3A_5 = tpu.assume_multiple %mul3A_4, 8 : i32
    %scan3A = arith.constant 0 : i32
    %scan3A_6 = arith.constant 0 : i32
    %scan3A_7 = arith.constant 125 : i32
    %scan3A_8 = arith.addi %scan3A_6, %scan3A_7 : i32
    %scan3A_9 = arith.constant 1 : i32
    scf.for %scan3A_12 = %scan3A_6 to %scan3A_8 step %scan3A_9  : i32 {
      %mul3A_13 = arith.constant 80 : i32
      %mul3A_14 = arith.muli %scan3A_12, %mul3A_13 : i32
      %add3A_15 = arith.addi %multiple_of3A_5, %mul3A_14 : i32
      %multiple_of3A_16 = tpu.assume_multiple %add3A_15, 8 : i32
      "tpu.region"() ({
        %run_scoped3A = tpu.sem_alloc : memref<!tpu.dma_semaphore, #tpu.memory_space<semaphore_mem>>
        %dma_start3A = tpu.memref_slice %arg2[%multiple_of3A_16] : memref<320000xi32, #tpu.memory_space<hbm>> -> memref<80xi32, #tpu.memory_space<hbm>>
        %dma_start3A_17 = tpu.memref_slice %arg2[%multiple_of3A_16] : memref<320000xi32, #tpu.memory_space<hbm>> -> memref<80xi32, #tpu.memory_space<hbm>>
        tpu.enqueue_dma source(%dma_start3A_17 : memref<80xi32, #tpu.memory_space<hbm>>) target(%arg6 : memref<80xi32, #tpu.memory_space<vmem>>) target_semaphore(%run_scoped3A : memref<!tpu.dma_semaphore, #tpu.memory_space<semaphore_mem>>)
        %dma_wait3A = tpu.memref_slice %arg2[%multiple_of3A_16] : memref<320000xi32, #tpu.memory_space<hbm>> -> memref<80xi32, #tpu.memory_space<hbm>>
        %dma_wait3A_18 = tpu.memref_slice %arg2[%multiple_of3A_16] : memref<320000xi32, #tpu.memory_space<hbm>> -> memref<80xi32, #tpu.memory_space<hbm>>
        tpu.wait_dma2 semaphore(%run_scoped3A : memref<!tpu.dma_semaphore, #tpu.memory_space<semaphore_mem>>) src(%dma_wait3A_18 : memref<80xi32, #tpu.memory_space<hbm>>) dst(%arg6 : memref<80xi32, #tpu.memory_space<vmem>>)
        tpu.yield
      }) : () -> ()
      "tpu.region"() ({
        %run_scoped3A = tpu.sem_alloc : memref<!tpu.dma_semaphore, #tpu.memory_space<semaphore_mem>>
        %dma_start3A = arith.constant 0 : i32
        %dma_start3A_17 = tpu.memref_slice %arg3[%multiple_of3A_16, %dma_start3A] : memref<320000x128xf32, #tpu.memory_space<hbm>> -> memref<80x128xf32, #tpu.memory_space<hbm>>
        %dma_start3A_18 = arith.constant 0 : i32
        %dma_start3A_19 = tpu.memref_slice %arg3[%multiple_of3A_16, %dma_start3A_18] : memref<320000x128xf32, #tpu.memory_space<hbm>> -> memref<80x128xf32, #tpu.memory_space<hbm>>
        tpu.enqueue_dma source(%dma_start3A_19 : memref<80x128xf32, #tpu.memory_space<hbm>>) target(%arg7 : memref<80x128xf32, #tpu.memory_space<vmem>>) target_semaphore(%run_scoped3A : memref<!tpu.dma_semaphore, #tpu.memory_space<semaphore_mem>>)
        %dma_wait3A = arith.constant 0 : i32
        %dma_wait3A_20 = tpu.memref_slice %arg3[%multiple_of3A_16, %dma_wait3A] : memref<320000x128xf32, #tpu.memory_space<hbm>> -> memref<80x128xf32, #tpu.memory_space<hbm>>
        %dma_wait3A_21 = arith.constant 0 : i32
        %dma_wait3A_22 = tpu.memref_slice %arg3[%multiple_of3A_16, %dma_wait3A_21] : memref<320000x128xf32, #tpu.memory_space<hbm>> -> memref<80x128xf32, #tpu.memory_space<hbm>>
        tpu.wait_dma2 semaphore(%run_scoped3A : memref<!tpu.dma_semaphore, #tpu.memory_space<semaphore_mem>>) src(%dma_wait3A_22 : memref<80x128xf32, #tpu.memory_space<hbm>>) dst(%arg7 : memref<80x128xf32, #tpu.memory_space<vmem>>)
        tpu.yield
      }) : () -> ()
      "tpu.region"() ({
        %run_scoped3A = tpu.sem_alloc : memref<!tpu.dma_semaphore, #tpu.memory_space<semaphore_mem>>
        %dma_start3A = arith.constant 0 : i32
        %dma_start3A_17 = arith.constant 0 : i32
        %dma_start3A_18 = tpu.memref_slice %arg8[%dma_start3A, %dma_start3A_17] : memref<10240x128xf32, #tpu.memory_space<vmem_shared>> -> memref<10240x128xf32, #tpu.memory_space<vmem_shared>>
        tpu.enqueue_indirect_dma source(%arg7 : memref<80x128xf32, #tpu.memory_space<vmem>>) target(%dma_start3A_18 : memref<10240x128xf32, #tpu.memory_space<vmem_shared>>) offsets(%arg6 : memref<80xi32, #tpu.memory_space<vmem>>) semaphore(%run_scoped3A : memref<!tpu.dma_semaphore, #tpu.memory_space<semaphore_mem>>) {add = true}
        %dma_wait3A = arith.constant 0 : i32
        %dma_wait3A_19 = arith.constant 0 : i32
        %dma_wait3A_20 = tpu.memref_slice %arg8[%dma_wait3A, %dma_wait3A_19] : memref<10240x128xf32, #tpu.memory_space<vmem_shared>> -> memref<10240x128xf32, #tpu.memory_space<vmem_shared>>
        tpu.wait_indirect_dma semaphore(%run_scoped3A : memref<!tpu.dma_semaphore, #tpu.memory_space<semaphore_mem>>) src(%arg7 : memref<80x128xf32, #tpu.memory_space<vmem>>) dst(%dma_wait3A_20 : memref<10240x128xf32, #tpu.memory_space<vmem_shared>>)
        tpu.yield
      }) : () -> ()
    }
    %scan3A_10 = arith.constant 125 : i32
    %barrier3A_11 = arith.constant 0 : index
    tpu.barrier barrier_id(%barrier3A_11)
    "tpu.region"() ({
      %run_scoped3A = tpu.sem_alloc : memref<!tpu.dma_semaphore, #tpu.memory_space<semaphore_mem>>
      %dma_start3A = arith.constant 0 : i32
      %dma_start3A_12 = tpu.memref_slice %arg5[%arg0, %multiple_of3A, %dma_start3A] : memref<2x10240x128xf32, #tpu.memory_space<hbm>> -> memref<1x640x128xf32, #tpu.memory_space<hbm>>
      %dma_start3A_13 = tpu.memref_squeeze %dma_start3A_12 : memref<1x640x128xf32, #tpu.memory_space<hbm>> -> memref<640x128xf32, #tpu.memory_space<hbm>>
      %dma_start3A_14 = arith.constant 0 : i32
      %dma_start3A_15 = tpu.memref_slice %arg8[%multiple_of3A, %dma_start3A_14] : memref<10240x128xf32, #tpu.memory_space<vmem_shared>> -> memref<640x128xf32, #tpu.memory_space<vmem_shared>>
      tpu.enqueue_dma source(%dma_start3A_15 : memref<640x128xf32, #tpu.memory_space<vmem_shared>>) target(%dma_start3A_13 : memref<640x128xf32, #tpu.memory_space<hbm>>) target_semaphore(%run_scoped3A : memref<!tpu.dma_semaphore, #tpu.memory_space<semaphore_mem>>)
      %dma_wait3A = arith.constant 0 : i32
      %dma_wait3A_16 = tpu.memref_slice %arg5[%arg0, %multiple_of3A, %dma_wait3A] : memref<2x10240x128xf32, #tpu.memory_space<hbm>> -> memref<1x640x128xf32, #tpu.memory_space<hbm>>
      %dma_wait3A_17 = tpu.memref_squeeze %dma_wait3A_16 : memref<1x640x128xf32, #tpu.memory_space<hbm>> -> memref<640x128xf32, #tpu.memory_space<hbm>>
      %dma_wait3A_18 = arith.constant 0 : i32
      %dma_wait3A_19 = tpu.memref_slice %arg8[%multiple_of3A, %dma_wait3A_18] : memref<10240x128xf32, #tpu.memory_space<vmem_shared>> -> memref<640x128xf32, #tpu.memory_space<vmem_shared>>
      tpu.wait_dma2 semaphore(%run_scoped3A : memref<!tpu.dma_semaphore, #tpu.memory_space<semaphore_mem>>) src(%dma_wait3A_19 : memref<640x128xf32, #tpu.memory_space<vmem_shared>>) dst(%dma_wait3A_17 : memref<640x128xf32, #tpu.memory_space<hbm>>)
      tpu.yield
    }) : () -> ()
    return
  }
}

#map = affine_map<(d0, d1) -> (0, 0)>
#map1 = affine_map<(d0, d1) -> (0)>
module attributes {stable_mosaic.version = 14 : i64} {
  func.func @_k2_body(%arg0: i32, %arg1: i32, %arg2: memref<10000x128xi32, #tpu.memory_space<hbm>>, %arg3: memref<10000x128xi32, #tpu.memory_space<hbm>>, %arg4: memref<320000xi32, #tpu.memory_space<hbm>>, %arg5: memref<320000xi32, #tpu.memory_space<hbm>>, %arg6: memref<320000x128xi32, #tpu.memory_space<hbm>>, %arg7: memref<320000x128xi32, #tpu.memory_space<hbm>>, %arg8: memref<80xi32, #tpu.memory_space<vmem>>, %arg9: memref<80xi32, #tpu.memory_space<vmem>>, %arg10: memref<80x128xi32, #tpu.memory_space<vmem>>, %arg11: memref<80x128xi32, #tpu.memory_space<vmem>>) attributes {dimension_semantics = [#tpu.dimension_semantics<core_parallel>, #tpu.dimension_semantics<subcore_parallel>], iteration_bounds = array<i64: 2, 16>, scalar_prefetch = 0 : i64, scratch_operands = 4 : i64, tpu.core_type = #tpu.core_type<sc_vector_subcore>, window_params = [{transform_indices = #map}, {transform_indices = #map}, {transform_indices = #map1}, {transform_indices = #map1}, {transform_indices = #map}, {transform_indices = #map}]} {
    %mul3A = arith.constant 2 : i32
    %mul3A_0 = arith.muli %arg1, %mul3A : i32
    %add3A = arith.addi %mul3A_0, %arg0 : i32
    %mul3A_1 = arith.constant 10000 : i32
    %mul3A_2 = arith.muli %add3A, %mul3A_1 : i32
    %multiple_of3A = tpu.assume_multiple %mul3A_2, 8 : i32
    %scan3A = arith.constant 0 : i32
    %scan3A_3 = arith.constant 0 : i32
    %scan3A_4 = arith.constant 125 : i32
    %scan3A_5 = arith.addi %scan3A_3, %scan3A_4 : i32
    %scan3A_6 = arith.constant 1 : i32
    scf.for %scan3A_8 = %scan3A_3 to %scan3A_5 step %scan3A_6  : i32 {
      %mul3A_9 = arith.constant 80 : i32
      %mul3A_10 = arith.muli %scan3A_8, %mul3A_9 : i32
      %add3A_11 = arith.addi %multiple_of3A, %mul3A_10 : i32
      %multiple_of3A_12 = tpu.assume_multiple %add3A_11, 8 : i32
      "tpu.region"() ({
        %run_scoped3A = tpu.sem_alloc : memref<!tpu.dma_semaphore, #tpu.memory_space<semaphore_mem>>
        %dma_start3A = tpu.memref_slice %arg4[%multiple_of3A_12] : memref<320000xi32, #tpu.memory_space<hbm>> -> memref<80xi32, #tpu.memory_space<hbm>>
        %dma_start3A_13 = tpu.memref_slice %arg4[%multiple_of3A_12] : memref<320000xi32, #tpu.memory_space<hbm>> -> memref<80xi32, #tpu.memory_space<hbm>>
        tpu.enqueue_dma source(%dma_start3A_13 : memref<80xi32, #tpu.memory_space<hbm>>) target(%arg8 : memref<80xi32, #tpu.memory_space<vmem>>) target_semaphore(%run_scoped3A : memref<!tpu.dma_semaphore, #tpu.memory_space<semaphore_mem>>)
        %dma_wait3A = tpu.memref_slice %arg4[%multiple_of3A_12] : memref<320000xi32, #tpu.memory_space<hbm>> -> memref<80xi32, #tpu.memory_space<hbm>>
        %dma_wait3A_14 = tpu.memref_slice %arg4[%multiple_of3A_12] : memref<320000xi32, #tpu.memory_space<hbm>> -> memref<80xi32, #tpu.memory_space<hbm>>
        tpu.wait_dma2 semaphore(%run_scoped3A : memref<!tpu.dma_semaphore, #tpu.memory_space<semaphore_mem>>) src(%dma_wait3A_14 : memref<80xi32, #tpu.memory_space<hbm>>) dst(%arg8 : memref<80xi32, #tpu.memory_space<vmem>>)
        tpu.yield
      }) : () -> ()
      "tpu.region"() ({
        %run_scoped3A = tpu.sem_alloc : memref<!tpu.dma_semaphore, #tpu.memory_space<semaphore_mem>>
        %dma_start3A = tpu.memref_slice %arg5[%multiple_of3A_12] : memref<320000xi32, #tpu.memory_space<hbm>> -> memref<80xi32, #tpu.memory_space<hbm>>
        %dma_start3A_13 = tpu.memref_slice %arg5[%multiple_of3A_12] : memref<320000xi32, #tpu.memory_space<hbm>> -> memref<80xi32, #tpu.memory_space<hbm>>
        tpu.enqueue_dma source(%dma_start3A_13 : memref<80xi32, #tpu.memory_space<hbm>>) target(%arg9 : memref<80xi32, #tpu.memory_space<vmem>>) target_semaphore(%run_scoped3A : memref<!tpu.dma_semaphore, #tpu.memory_space<semaphore_mem>>)
        %dma_wait3A = tpu.memref_slice %arg5[%multiple_of3A_12] : memref<320000xi32, #tpu.memory_space<hbm>> -> memref<80xi32, #tpu.memory_space<hbm>>
        %dma_wait3A_14 = tpu.memref_slice %arg5[%multiple_of3A_12] : memref<320000xi32, #tpu.memory_space<hbm>> -> memref<80xi32, #tpu.memory_space<hbm>>
        tpu.wait_dma2 semaphore(%run_scoped3A : memref<!tpu.dma_semaphore, #tpu.memory_space<semaphore_mem>>) src(%dma_wait3A_14 : memref<80xi32, #tpu.memory_space<hbm>>) dst(%arg9 : memref<80xi32, #tpu.memory_space<vmem>>)
        tpu.yield
      }) : () -> ()
      "tpu.region"() ({
        %run_scoped3A = tpu.sem_alloc : memref<!tpu.dma_semaphore, #tpu.memory_space<semaphore_mem>>
        %dma_start3A = arith.constant 0 : i32
        %dma_start3A_13 = arith.constant 0 : i32
        %dma_start3A_14 = tpu.memref_slice %arg2[%dma_start3A, %dma_start3A_13] : memref<10000x128xi32, #tpu.memory_space<hbm>> -> memref<10000x128xi32, #tpu.memory_space<hbm>>
        tpu.enqueue_indirect_dma source(%dma_start3A_14 : memref<10000x128xi32, #tpu.memory_space<hbm>>) target(%arg10 : memref<80x128xi32, #tpu.memory_space<vmem>>) offsets(%arg8 : memref<80xi32, #tpu.memory_space<vmem>>) semaphore(%run_scoped3A : memref<!tpu.dma_semaphore, #tpu.memory_space<semaphore_mem>>)
        %dma_wait3A = arith.constant 0 : i32
        %dma_wait3A_15 = arith.constant 0 : i32
        %dma_wait3A_16 = tpu.memref_slice %arg2[%dma_wait3A, %dma_wait3A_15] : memref<10000x128xi32, #tpu.memory_space<hbm>> -> memref<10000x128xi32, #tpu.memory_space<hbm>>
        tpu.wait_indirect_dma semaphore(%run_scoped3A : memref<!tpu.dma_semaphore, #tpu.memory_space<semaphore_mem>>) src(%dma_wait3A_16 : memref<10000x128xi32, #tpu.memory_space<hbm>>) dst(%arg10 : memref<80x128xi32, #tpu.memory_space<vmem>>)
        tpu.yield
      }) : () -> ()
      "tpu.region"() ({
        %run_scoped3A = tpu.sem_alloc : memref<!tpu.dma_semaphore, #tpu.memory_space<semaphore_mem>>
        %dma_start3A = arith.constant 0 : i32
        %dma_start3A_13 = arith.constant 0 : i32
        %dma_start3A_14 = tpu.memref_slice %arg3[%dma_start3A, %dma_start3A_13] : memref<10000x128xi32, #tpu.memory_space<hbm>> -> memref<10000x128xi32, #tpu.memory_space<hbm>>
        tpu.enqueue_indirect_dma source(%dma_start3A_14 : memref<10000x128xi32, #tpu.memory_space<hbm>>) target(%arg11 : memref<80x128xi32, #tpu.memory_space<vmem>>) offsets(%arg9 : memref<80xi32, #tpu.memory_space<vmem>>) semaphore(%run_scoped3A : memref<!tpu.dma_semaphore, #tpu.memory_space<semaphore_mem>>)
        %dma_wait3A = arith.constant 0 : i32
        %dma_wait3A_15 = arith.constant 0 : i32
        %dma_wait3A_16 = tpu.memref_slice %arg3[%dma_wait3A, %dma_wait3A_15] : memref<10000x128xi32, #tpu.memory_space<hbm>> -> memref<10000x128xi32, #tpu.memory_space<hbm>>
        tpu.wait_indirect_dma semaphore(%run_scoped3A : memref<!tpu.dma_semaphore, #tpu.memory_space<semaphore_mem>>) src(%dma_wait3A_16 : memref<10000x128xi32, #tpu.memory_space<hbm>>) dst(%arg11 : memref<80x128xi32, #tpu.memory_space<vmem>>)
        tpu.yield
      }) : () -> ()
      "tpu.region"() ({
        %run_scoped3A = tpu.sem_alloc : memref<!tpu.dma_semaphore, #tpu.memory_space<semaphore_mem>>
        %dma_start3A = arith.constant 0 : i32
        %dma_start3A_13 = tpu.memref_slice %arg6[%multiple_of3A_12, %dma_start3A] : memref<320000x128xi32, #tpu.memory_space<hbm>> -> memref<80x128xi32, #tpu.memory_space<hbm>>
        %dma_start3A_14 = arith.constant 0 : i32
        %dma_start3A_15 = tpu.memref_slice %arg6[%multiple_of3A_12, %dma_start3A_14] : memref<320000x128xi32, #tpu.memory_space<hbm>> -> memref<80x128xi32, #tpu.memory_space<hbm>>
        tpu.enqueue_dma source(%arg10 : memref<80x128xi32, #tpu.memory_space<vmem>>) target(%dma_start3A_15 : memref<80x128xi32, #tpu.memory_space<hbm>>) target_semaphore(%run_scoped3A : memref<!tpu.dma_semaphore, #tpu.memory_space<semaphore_mem>>)
        %dma_wait3A = arith.constant 0 : i32
        %dma_wait3A_16 = tpu.memref_slice %arg6[%multiple_of3A_12, %dma_wait3A] : memref<320000x128xi32, #tpu.memory_space<hbm>> -> memref<80x128xi32, #tpu.memory_space<hbm>>
        %dma_wait3A_17 = arith.constant 0 : i32
        %dma_wait3A_18 = tpu.memref_slice %arg6[%multiple_of3A_12, %dma_wait3A_17] : memref<320000x128xi32, #tpu.memory_space<hbm>> -> memref<80x128xi32, #tpu.memory_space<hbm>>
        tpu.wait_dma2 semaphore(%run_scoped3A : memref<!tpu.dma_semaphore, #tpu.memory_space<semaphore_mem>>) src(%arg10 : memref<80x128xi32, #tpu.memory_space<vmem>>) dst(%dma_wait3A_18 : memref<80x128xi32, #tpu.memory_space<hbm>>)
        tpu.yield
      }) : () -> ()
      "tpu.region"() ({
        %run_scoped3A = tpu.sem_alloc : memref<!tpu.dma_semaphore, #tpu.memory_space<semaphore_mem>>
        %dma_start3A = arith.constant 0 : i32
        %dma_start3A_13 = tpu.memref_slice %arg7[%multiple_of3A_12, %dma_start3A] : memref<320000x128xi32, #tpu.memory_space<hbm>> -> memref<80x128xi32, #tpu.memory_space<hbm>>
        %dma_start3A_14 = arith.constant 0 : i32
        %dma_start3A_15 = tpu.memref_slice %arg7[%multiple_of3A_12, %dma_start3A_14] : memref<320000x128xi32, #tpu.memory_space<hbm>> -> memref<80x128xi32, #tpu.memory_space<hbm>>
        tpu.enqueue_dma source(%arg11 : memref<80x128xi32, #tpu.memory_space<vmem>>) target(%dma_start3A_15 : memref<80x128xi32, #tpu.memory_space<hbm>>) target_semaphore(%run_scoped3A : memref<!tpu.dma_semaphore, #tpu.memory_space<semaphore_mem>>)
        %dma_wait3A = arith.constant 0 : i32
        %dma_wait3A_16 = tpu.memref_slice %arg7[%multiple_of3A_12, %dma_wait3A] : memref<320000x128xi32, #tpu.memory_space<hbm>> -> memref<80x128xi32, #tpu.memory_space<hbm>>
        %dma_wait3A_17 = arith.constant 0 : i32
        %dma_wait3A_18 = tpu.memref_slice %arg7[%multiple_of3A_12, %dma_wait3A_17] : memref<320000x128xi32, #tpu.memory_space<hbm>> -> memref<80x128xi32, #tpu.memory_space<hbm>>
        tpu.wait_dma2 semaphore(%run_scoped3A : memref<!tpu.dma_semaphore, #tpu.memory_space<semaphore_mem>>) src(%arg11 : memref<80x128xi32, #tpu.memory_space<vmem>>) dst(%dma_wait3A_18 : memref<80x128xi32, #tpu.memory_space<hbm>>)
        tpu.yield
      }) : () -> ()
    }
    %scan3A_7 = arith.constant 125 : i32
    return
  }
}

module attributes {stable_mosaic.version = 14 : i64} {
  func.func @_k1_body(%arg0: i32, %arg1: memref<1000x128xf32, #tpu.memory_space<vmem>>, %arg2: memref<128x256xf32, #tpu.memory_space<vmem>>, %arg3: memref<128x256xf32, #tpu.memory_space<vmem>>, %arg4: memref<1000x128xi32, #tpu.memory_space<vmem>>, %arg5: memref<1000x128xi32, #tpu.memory_space<vmem>>) attributes {dimension_semantics = [#tpu.dimension_semantics<arbitrary>], iteration_bounds = array<i64: 10>, scalar_prefetch = 0 : i64, scratch_operands = 0 : i64, tpu.core_type = #tpu.core_type<tc>, window_params = [{transform_indices = @transform_0, window_bounds = array<i64: 1000, 128>}, {pipeline_mode = #tpu.pipeline_mode<synchronous>, transform_indices = @transform_1, window_bounds = array<i64: 128, 256>}, {pipeline_mode = #tpu.pipeline_mode<synchronous>, transform_indices = @transform_2, window_bounds = array<i64: 128, 256>}, {transform_indices = @transform_3, window_bounds = array<i64: 1000, 128>}, {transform_indices = @transform_4, window_bounds = array<i64: 1000, 128>}]} {
    %get3A = arith.constant 0 : index
    %get3A_0 = arith.constant 0 : index
    %get3A_1 = vector.load %arg1[%get3A, %get3A_0] : memref<1000x128xf32, #tpu.memory_space<vmem>>, vector<1000x128xf32>
    %get3A_2 = arith.constant 0 : index
    %get3A_3 = arith.constant 0 : index
    %get3A_4 = vector.load %arg2[%get3A_2, %get3A_3] : memref<128x256xf32, #tpu.memory_space<vmem>>, vector<128x256xf32>
    %dot_general3A = arith.constant dense<0.000000e+00> : vector<1000x256xf32>
    %dot_general3A_5 = tpu.matmul %get3A_1, %get3A_4, %dot_general3A {dimension_numbers = #tpu.dot_dimension_numbers<[1], [0], [0], [1], [0, 0, 1, 1], [], []>, transpose_lhs_hint = false} : vector<1000x128xf32>, vector<128x256xf32>, vector<1000x256xf32> -> vector<1000x256xf32>
    %slice3A = vector.extract_strided_slice %dot_general3A_5 {offsets = [0, 0], sizes = [1000, 128], strides = [1, 1]} : vector<1000x256xf32> to vector<1000x128xf32>
    %convert_element_type3A = arith.truncf %slice3A : vector<1000x128xf32> to vector<1000x128xbf16>
    %bitcast_convert_type3A = tpu.bitcast %convert_element_type3A : vector<1000x128xbf16> -> vector<1000x128xi16>
    %convert_element_type3A_6 = arith.extui %bitcast_convert_type3A : vector<1000x128xi16> to vector<1000x128xi32>
    %slice3A_7 = vector.extract_strided_slice %dot_general3A_5 {offsets = [0, 128], sizes = [1000, 128], strides = [1, 1]} : vector<1000x256xf32> to vector<1000x128xf32>
    %convert_element_type3A_8 = arith.truncf %slice3A_7 : vector<1000x128xf32> to vector<1000x128xbf16>
    %bitcast_convert_type3A_9 = tpu.bitcast %convert_element_type3A_8 : vector<1000x128xbf16> -> vector<1000x128xi16>
    %convert_element_type3A_10 = arith.extui %bitcast_convert_type3A_9 : vector<1000x128xi16> to vector<1000x128xi32>
    %shift_left3A = arith.constant 16 : i32
    %shift_left3A_11 = vector.broadcast %shift_left3A : i32 to vector<1000x128xi32>
    %shift_left3A_12 = arith.shli %convert_element_type3A_10, %shift_left3A_11 : vector<1000x128xi32>
    %or3A = arith.ori %shift_left3A_12, %convert_element_type3A_6 : vector<1000x128xi32>
    %bitcast_convert_type3A_13 = tpu.bitcast %or3A : vector<1000x128xi32> -> vector<1000x128xi32>
    %swap3A = arith.constant 0 : index
    %swap3A_14 = arith.constant 0 : index
    %swap3A_15 = vector.load %arg4[%swap3A, %swap3A_14] : memref<1000x128xi32, #tpu.memory_space<vmem>>, vector<1000x128xi32>
    tpu.vector_store %arg4[%swap3A, %swap3A_14], %bitcast_convert_type3A_13 {strides = array<i32>} : memref<1000x128xi32, #tpu.memory_space<vmem>>, vector<1000x128xi32>,
    %get3A_16 = arith.constant 0 : index
    %get3A_17 = arith.constant 0 : index
    %get3A_18 = vector.load %arg3[%get3A_16, %get3A_17] : memref<128x256xf32, #tpu.memory_space<vmem>>, vector<128x256xf32>
    %dot_general3A_19 = arith.constant dense<0.000000e+00> : vector<1000x256xf32>
    %dot_general3A_20 = tpu.matmul %get3A_1, %get3A_18, %dot_general3A_19 {dimension_numbers = #tpu.dot_dimension_numbers<[1], [0], [0], [1], [0, 0, 1, 1], [], []>, transpose_lhs_hint = false} : vector<1000x128xf32>, vector<128x256xf32>, vector<1000x256xf32> -> vector<1000x256xf32>
    %slice3A_21 = vector.extract_strided_slice %dot_general3A_20 {offsets = [0, 0], sizes = [1000, 128], strides = [1, 1]} : vector<1000x256xf32> to vector<1000x128xf32>
    %convert_element_type3A_22 = arith.truncf %slice3A_21 : vector<1000x128xf32> to vector<1000x128xbf16>
    %bitcast_convert_type3A_23 = tpu.bitcast %convert_element_type3A_22 : vector<1000x128xbf16> -> vector<1000x128xi16>
    %convert_element_type3A_24 = arith.extui %bitcast_convert_type3A_23 : vector<1000x128xi16> to vector<1000x128xi32>
    %slice3A_25 = vector.extract_strided_slice %dot_general3A_20 {offsets = [0, 128], sizes = [1000, 128], strides = [1, 1]} : vector<1000x256xf32> to vector<1000x128xf32>
    %convert_element_type3A_26 = arith.truncf %slice3A_25 : vector<1000x128xf32> to vector<1000x128xbf16>
    %bitcast_convert_type3A_27 = tpu.bitcast %convert_element_type3A_26 : vector<1000x128xbf16> -> vector<1000x128xi16>
    %convert_element_type3A_28 = arith.extui %bitcast_convert_type3A_27 : vector<1000x128xi16> to vector<1000x128xi32>
    %shift_left3A_29 = arith.constant 16 : i32
    %shift_left3A_30 = vector.broadcast %shift_left3A_29 : i32 to vector<1000x128xi32>
    %shift_left3A_31 = arith.shli %convert_element_type3A_28, %shift_left3A_30 : vector<1000x128xi32>
    %or3A_32 = arith.ori %shift_left3A_31, %convert_element_type3A_24 : vector<1000x128xi32>
    %bitcast_convert_type3A_33 = tpu.bitcast %or3A_32 : vector<1000x128xi32> -> vector<1000x128xi32>
    %swap3A_34 = arith.constant 0 : index
    %swap3A_35 = arith.constant 0 : index
    %swap3A_36 = vector.load %arg5[%swap3A_34, %swap3A_35] : memref<1000x128xi32, #tpu.memory_space<vmem>>, vector<1000x128xi32>
    tpu.vector_store %arg5[%swap3A_34, %swap3A_35], %bitcast_convert_type3A_33 {strides = array<i32>} : memref<1000x128xi32, #tpu.memory_space<vmem>>, vector<1000x128xi32>,
    return
  }
  func.func @transform_0(%arg0: i32) -> (i32, i32) {
    %c0_i32 = arith.constant 0 : i32
    %c0_i32_0 = arith.constant 0 : i32
    return %arg0, %c0_i32 : i32, i32
  }
  func.func @transform_1(%arg0: i32) -> (i32, i32) {
    %c0_i32 = arith.constant 0 : i32
    %c0_i32_0 = arith.constant 0 : i32
    %c0_i32_1 = arith.constant 0 : i32
    return %c0_i32, %c0_i32_0 : i32, i32
  }
  func.func @transform_2(%arg0: i32) -> (i32, i32) {
    %c0_i32 = arith.constant 0 : i32
    %c0_i32_0 = arith.constant 0 : i32
    %c0_i32_1 = arith.constant 0 : i32
    return %c0_i32, %c0_i32_0 : i32, i32
  }
  func.func @transform_3(%arg0: i32) -> (i32, i32) {
    %c0_i32 = arith.constant 0 : i32
    %c0_i32_0 = arith.constant 0 : i32
    return %arg0, %c0_i32 : i32, i32
  }
  func.func @transform_4(%arg0: i32) -> (i32, i32) {
    %c0_i32 = arith.constant 0 : i32
    %c0_i32_0 = arith.constant 0 : i32
    return %arg0, %c0_i32 : i32, i32
  }
}

module attributes {stable_mosaic.version = 14 : i64} {
  func.func @_k3_body(%arg0: i32, %arg1: memref<2000x16xf32, #tpu.memory_space<vmem>>, %arg2: memref<2000x128xi32, #tpu.memory_space<vmem>>, %arg3: memref<2000x128xi32, #tpu.memory_space<vmem>>, %arg4: memref<2000x1xf32, #tpu.memory_space<vmem>>, %arg5: memref<16x256xf32, #tpu.memory_space<vmem>>, %arg6: memref<1x256xf32, #tpu.memory_space<vmem>>, %arg7: memref<256x128xf32, #tpu.memory_space<vmem>>, %arg8: memref<1x128xf32, #tpu.memory_space<vmem>>, %arg9: memref<2000x128xf32, #tpu.memory_space<vmem>>) attributes {dimension_semantics = [#tpu.dimension_semantics<arbitrary>], iteration_bounds = array<i64: 160>, scalar_prefetch = 0 : i64, scratch_operands = 0 : i64, tpu.core_type = #tpu.core_type<tc>, window_params = [{transform_indices = @transform_0, window_bounds = array<i64: 2000, 16>}, {transform_indices = @transform_1, window_bounds = array<i64: 2000, 128>}, {transform_indices = @transform_2, window_bounds = array<i64: 2000, 128>}, {transform_indices = @transform_3, window_bounds = array<i64: 2000, 1>}, {pipeline_mode = #tpu.pipeline_mode<synchronous>, transform_indices = @transform_4, window_bounds = array<i64: 16, 256>}, {pipeline_mode = #tpu.pipeline_mode<synchronous>, transform_indices = @transform_5, window_bounds = array<i64: 1, 256>}, {pipeline_mode = #tpu.pipeline_mode<synchronous>, transform_indices = @transform_6, window_bounds = array<i64: 256, 128>}, {pipeline_mode = #tpu.pipeline_mode<synchronous>, transform_indices = @transform_7, window_bounds = array<i64: 1, 128>}, {transform_indices = @transform_8, window_bounds = array<i64: 2000, 128>}]} {
    %get3A = arith.constant 0 : index
    %get3A_0 = arith.constant 0 : index
    %get3A_1 = vector.load %arg1[%get3A, %get3A_0] : memref<2000x16xf32, #tpu.memory_space<vmem>>, vector<2000x16xf32>
    %get3A_2 = arith.constant 0 : index
    %get3A_3 = arith.constant 0 : index
    %get3A_4 = vector.load %arg5[%get3A_2, %get3A_3] : memref<16x256xf32, #tpu.memory_space<vmem>>, vector<16x256xf32>
    %dot_general3A = arith.constant dense<0.000000e+00> : vector<2000x256xf32>
    %dot_general3A_5 = tpu.matmul %get3A_1, %get3A_4, %dot_general3A {dimension_numbers = #tpu.dot_dimension_numbers<[1], [0], [0], [1], [0, 0, 1, 1], [], []>, transpose_lhs_hint = false} : vector<2000x16xf32>, vector<16x256xf32>, vector<2000x256xf32> -> vector<2000x256xf32>
    %get3A_6 = arith.constant 0 : index
    %get3A_7 = arith.constant 0 : index
    %get3A_8 = vector.load %arg6[%get3A_6, %get3A_7] : memref<1x256xf32, #tpu.memory_space<vmem>>, vector<1x256xf32>
    %add3A = vector.broadcast %get3A_8 : vector<1x256xf32> to vector<2000x256xf32>
    %add3A_9 = arith.addf %dot_general3A_5, %add3A : vector<2000x256xf32>
    %get3A_10 = arith.constant 0 : index
    %get3A_11 = arith.constant 0 : index
    %get3A_12 = vector.load %arg2[%get3A_10, %get3A_11] : memref<2000x128xi32, #tpu.memory_space<vmem>>, vector<2000x128xi32>
    %get3A_13 = arith.constant 0 : index
    %get3A_14 = arith.constant 0 : index
    %get3A_15 = vector.load %arg3[%get3A_13, %get3A_14] : memref<2000x128xi32, #tpu.memory_space<vmem>>, vector<2000x128xi32>
    %get3A_16 = arith.constant 0 : index
    %get3A_17 = arith.constant 0 : index
    %get3A_18 = vector.load %arg4[%get3A_16, %get3A_17] : memref<2000x1xf32, #tpu.memory_space<vmem>>, vector<2000x1xf32>
    %slice3A = vector.extract_strided_slice %add3A_9 {offsets = [0, 0], sizes = [2000, 128], strides = [1, 1]} : vector<2000x256xf32> to vector<2000x128xf32>
    %shift_left3A = arith.constant 16 : i32
    %shift_left3A_19 = vector.broadcast %shift_left3A : i32 to vector<2000x128xi32>
    %shift_left3A_20 = arith.shli %get3A_12, %shift_left3A_19 : vector<2000x128xi32>
    %bitcast_convert_type3A = tpu.bitcast %shift_left3A_20 : vector<2000x128xi32> -> vector<2000x128xf32>
    %add3A_21 = arith.addf %slice3A, %bitcast_convert_type3A : vector<2000x128xf32>
    %shift_left3A_22 = arith.constant 16 : i32
    %shift_left3A_23 = vector.broadcast %shift_left3A_22 : i32 to vector<2000x128xi32>
    %shift_left3A_24 = arith.shli %get3A_15, %shift_left3A_23 : vector<2000x128xi32>
    %bitcast_convert_type3A_25 = tpu.bitcast %shift_left3A_24 : vector<2000x128xi32> -> vector<2000x128xf32>
    %add3A_26 = arith.addf %add3A_21, %bitcast_convert_type3A_25 : vector<2000x128xf32>
    %slice3A_27 = vector.extract_strided_slice %add3A_9 {offsets = [0, 128], sizes = [2000, 128], strides = [1, 1]} : vector<2000x256xf32> to vector<2000x128xf32>
    %and3A = arith.constant -65536 : i32
    %and3A_28 = vector.broadcast %and3A : i32 to vector<2000x128xi32>
    %and3A_29 = arith.andi %get3A_12, %and3A_28 : vector<2000x128xi32>
    %bitcast_convert_type3A_30 = tpu.bitcast %and3A_29 : vector<2000x128xi32> -> vector<2000x128xf32>
    %add3A_31 = arith.addf %slice3A_27, %bitcast_convert_type3A_30 : vector<2000x128xf32>
    %and3A_32 = arith.constant -65536 : i32
    %and3A_33 = vector.broadcast %and3A_32 : i32 to vector<2000x128xi32>
    %and3A_34 = arith.andi %get3A_15, %and3A_33 : vector<2000x128xi32>
    %bitcast_convert_type3A_35 = tpu.bitcast %and3A_34 : vector<2000x128xi32> -> vector<2000x128xf32>
    %add3A_36 = arith.addf %add3A_31, %bitcast_convert_type3A_35 : vector<2000x128xf32>
    %max3A = arith.constant 0.000000e+00 : f32
    %max3A_37 = vector.broadcast %max3A : f32 to vector<2000x128xf32>
    %max3A_38 = arith.maximumf %add3A_26, %max3A_37 : vector<2000x128xf32>
    %mul3A = vector.broadcast %get3A_18 : vector<2000x1xf32> to vector<2000x128xf32>
    %mul3A_39 = arith.mulf %max3A_38, %mul3A : vector<2000x128xf32>
    %max3A_40 = arith.constant 0.000000e+00 : f32
    %max3A_41 = vector.broadcast %max3A_40 : f32 to vector<2000x128xf32>
    %max3A_42 = arith.maximumf %add3A_36, %max3A_41 : vector<2000x128xf32>
    %mul3A_43 = vector.broadcast %get3A_18 : vector<2000x1xf32> to vector<2000x128xf32>
    %mul3A_44 = arith.mulf %max3A_42, %mul3A_43 : vector<2000x128xf32>
    %get3A_45 = arith.constant 0 : index
    %get3A_46 = arith.constant 0 : index
    %get3A_47 = vector.load %arg7[%get3A_45, %get3A_46] : memref<256x128xf32, #tpu.memory_space<vmem>>, vector<256x128xf32>
    %slice3A_48 = vector.extract_strided_slice %get3A_47 {offsets = [0, 0], sizes = [128, 128], strides = [1, 1]} : vector<256x128xf32> to vector<128x128xf32>
    %dot_general3A_49 = arith.constant dense<0.000000e+00> : vector<2000x128xf32>
    %dot_general3A_50 = tpu.matmul %mul3A_39, %slice3A_48, %dot_general3A_49 {dimension_numbers = #tpu.dot_dimension_numbers<[1], [0], [0], [1], [0, 0, 1, 1], [], []>, transpose_lhs_hint = false} : vector<2000x128xf32>, vector<128x128xf32>, vector<2000x128xf32> -> vector<2000x128xf32>
    %slice3A_51 = vector.extract_strided_slice %get3A_47 {offsets = [128, 0], sizes = [128, 128], strides = [1, 1]} : vector<256x128xf32> to vector<128x128xf32>
    %dot_general3A_52 = arith.constant dense<0.000000e+00> : vector<2000x128xf32>
    %dot_general3A_53 = tpu.matmul %mul3A_44, %slice3A_51, %dot_general3A_52 {dimension_numbers = #tpu.dot_dimension_numbers<[1], [0], [0], [1], [0, 0, 1, 1], [], []>, transpose_lhs_hint = false} : vector<2000x128xf32>, vector<128x128xf32>, vector<2000x128xf32> -> vector<2000x128xf32>
    %add3A_54 = arith.addf %dot_general3A_50, %dot_general3A_53 : vector<2000x128xf32>
    %get3A_55 = arith.constant 0 : index
    %get3A_56 = arith.constant 0 : index
    %get3A_57 = vector.load %arg8[%get3A_55, %get3A_56] : memref<1x128xf32, #tpu.memory_space<vmem>>, vector<1x128xf32>
    %mul3A_58 = vector.broadcast %get3A_18 : vector<2000x1xf32> to vector<2000x128xf32>
    %mul3A_59 = vector.broadcast %get3A_57 : vector<1x128xf32> to vector<2000x128xf32>
    %mul3A_60 = arith.mulf %mul3A_58, %mul3A_59 : vector<2000x128xf32>
    %add3A_61 = arith.addf %add3A_54, %mul3A_60 : vector<2000x128xf32>
    %swap3A = arith.constant 0 : index
    %swap3A_62 = arith.constant 0 : index
    %swap3A_63 = vector.load %arg9[%swap3A, %swap3A_62] : memref<2000x128xf32, #tpu.memory_space<vmem>>, vector<2000x128xf32>
    tpu.vector_store %arg9[%swap3A, %swap3A_62], %add3A_61 {strides = array<i32>} : memref<2000x128xf32, #tpu.memory_space<vmem>>, vector<2000x128xf32>,
    return
  }
  func.func @transform_0(%arg0: i32) -> (i32, i32) {
    %c0_i32 = arith.constant 0 : i32
    %c0_i32_0 = arith.constant 0 : i32
    return %arg0, %c0_i32 : i32, i32
  }
  func.func @transform_1(%arg0: i32) -> (i32, i32) {
    %c0_i32 = arith.constant 0 : i32
    %c0_i32_0 = arith.constant 0 : i32
    return %arg0, %c0_i32 : i32, i32
  }
  func.func @transform_2(%arg0: i32) -> (i32, i32) {
    %c0_i32 = arith.constant 0 : i32
    %c0_i32_0 = arith.constant 0 : i32
    return %arg0, %c0_i32 : i32, i32
  }
  func.func @transform_3(%arg0: i32) -> (i32, i32) {
    %c0_i32 = arith.constant 0 : i32
    %c0_i32_0 = arith.constant 0 : i32
    return %arg0, %c0_i32 : i32, i32
  }
  func.func @transform_4(%arg0: i32) -> (i32, i32) {
    %c0_i32 = arith.constant 0 : i32
    %c0_i32_0 = arith.constant 0 : i32
    %c0_i32_1 = arith.constant 0 : i32
    return %c0_i32, %c0_i32_0 : i32, i32
  }
  func.func @transform_5(%arg0: i32) -> (i32, i32) {
    %c0_i32 = arith.constant 0 : i32
    %c0_i32_0 = arith.constant 0 : i32
    %c0_i32_1 = arith.constant 0 : i32
    return %c0_i32, %c0_i32_0 : i32, i32
  }
  func.func @transform_6(%arg0: i32) -> (i32, i32) {
    %c0_i32 = arith.constant 0 : i32
    %c0_i32_0 = arith.constant 0 : i32
    %c0_i32_1 = arith.constant 0 : i32
    return %c0_i32, %c0_i32_0 : i32, i32
  }
  func.func @transform_7(%arg0: i32) -> (i32, i32) {
    %c0_i32 = arith.constant 0 : i32
    %c0_i32_0 = arith.constant 0 : i32
    %c0_i32_1 = arith.constant 0 : i32
    return %c0_i32, %c0_i32_0 : i32, i32
  }
  func.func @transform_8(%arg0: i32) -> (i32, i32) {
    %c0_i32 = arith.constant 0 : i32
    %c0_i32_0 = arith.constant 0 : i32
    return %arg0, %c0_i32 : i32, i32
  }
}

module attributes {stable_mosaic.version = 14 : i64} {
  func.func @_k5_body(%arg0: i32, %arg1: memref<2x1000x128xf32, #tpu.memory_space<vmem>>, %arg2: memref<1000x128xf32, #tpu.memory_space<vmem>>) attributes {dimension_semantics = [#tpu.dimension_semantics<arbitrary>], iteration_bounds = array<i64: 10>, scalar_prefetch = 0 : i64, scratch_operands = 0 : i64, tpu.core_type = #tpu.core_type<tc>, window_params = [{transform_indices = @transform_0, window_bounds = array<i64: 2, 1000, 128>}, {transform_indices = @transform_1, window_bounds = array<i64: 1000, 128>}]} {
    %get3A = arith.constant 0 : index
    %get3A_0 = arith.constant 0 : index
    %get3A_1 = arith.constant 0 : index
    %get3A_2 = vector.load %arg1[%get3A, %get3A_0, %get3A_1] : memref<2x1000x128xf32, #tpu.memory_space<vmem>>, vector<2x1000x128xf32>
    %slice3A = vector.extract_strided_slice %get3A_2 {offsets = [0, 0, 0], sizes = [1, 1000, 128], strides = [1, 1, 1]} : vector<2x1000x128xf32> to vector<1x1000x128xf32>
    %squeeze3A = vector.shape_cast %slice3A : vector<1x1000x128xf32> to vector<1000x128xf32>
    %slice3A_3 = vector.extract_strided_slice %get3A_2 {offsets = [1, 0, 0], sizes = [1, 1000, 128], strides = [1, 1, 1]} : vector<2x1000x128xf32> to vector<1x1000x128xf32>
    %squeeze3A_4 = vector.shape_cast %slice3A_3 : vector<1x1000x128xf32> to vector<1000x128xf32>
    %add3A = arith.addf %squeeze3A, %squeeze3A_4 : vector<1000x128xf32>
    %max3A = arith.constant 0.000000e+00 : f32
    %max3A_5 = vector.broadcast %max3A : f32 to vector<1000x128xf32>
    %max3A_6 = arith.maximumf %add3A, %max3A_5 : vector<1000x128xf32>
    %swap3A = arith.constant 0 : index
    %swap3A_7 = arith.constant 0 : index
    %swap3A_8 = vector.load %arg2[%swap3A, %swap3A_7] : memref<1000x128xf32, #tpu.memory_space<vmem>>, vector<1000x128xf32>
    tpu.vector_store %arg2[%swap3A, %swap3A_7], %max3A_6 {strides = array<i32>} : memref<1000x128xf32, #tpu.memory_space<vmem>>, vector<1000x128xf32>,
    return
  }
  func.func @transform_0(%arg0: i32) -> (i32, i32, i32) {
    %c0_i32 = arith.constant 0 : i32
    %c0_i32_0 = arith.constant 0 : i32
    %c0_i32_1 = arith.constant 0 : i32
    return %c0_i32, %arg0, %c0_i32_0 : i32, i32, i32
  }
  func.func @transform_1(%arg0: i32) -> (i32, i32) {
    %c0_i32 = arith.constant 0 : i32
    %c0_i32_0 = arith.constant 0 : i32
    return %arg0, %c0_i32 : i32, i32
  }
}

</mosaic_0001>

<sc_bundles>
// kernel: kernel.10.cloned.1.call-start
scs
__scs_entry_jumppad:
0x0: {  	(pc) =	sbr.rel $0x88, $3  }
0x1: {  	(tag) =	ssettag $0x0;
	lr =	simm.s32 $0x1  }
0x2: {  	[smem:$0x3F94] =	sst lr;
	_ =	strace $0xD0000000  }
0x3: {  	_ = 	snop  }
0x4: {  	_ = 	snop  }
0x5: {  	_ = 	snop  }
0x6: {  	_ = 	snop  }
0x7: {  	_ = 	snop  }
__scs_overlays_trampoline_lowered:
0x8: {  	[smem:$0x3FA3] =	sst s0  }
0x9: {  	[smem:$0x3FA4] =	sst s1  }
0xa: {  	[smem:$0x3FA5] =	sst s2  }
0xb: {  	[smem:$0x3FA6] =	sst s3  }
0xc: {  	[smem:$0x3FA7] =	sst s4  }
0xd: {  	[smem:$0x3FA8] =	sst s5  }
0xe: {  	[smem:$0x3FA9] =	sst s6  }
0xf: {  	[smem:$0x3FAA] =	sst s7  }
0x10: {  	[smem:$0x3FAB] =	sst s8  }
0x11: {  	[smem:$0x3FAC] =	sst s9;
	s0 =	simm.s32 @!p0 $0x0  }
0x12: {  	s1 =	sld [smem:$0x3F92];
	s0 =	simm.s32 @p0 $0x1  }
0x13: {  	[smem:$0x3FAD] =	sst s0;
	s0 =	simm.s32 @!p1 $0x0  }
0x14: {  	s2 =	sld [smem:$0x3F91];
	s0 =	simm.s32 @p1 $0x1  }
0x15: {  	[smem:$0x3FAE] =	sst s0;
	s0 =	simm.s32 @!p2 $0x0  }
0x16: {  	s3 =	sld [smem:$0x3FDB];
	s0 =	simm.s32 @p2 $0x1  }
0x17: {  	s4 =	simm.s32 $0x1BF5;
	[smem:$0x3FB0] =	sst s0  }
0x18: {  	s0 =	sld [smem:$0x3F93];
	_ =	swait.ge [sflag:s4], $0x0  }
0x19: {  	s7 =	sld [smem:$0x3F94]  }
0x1a: {  	s8 =	sadd.s32 $0xFFFFE003, lr  }
0x1b: {  	s9 =	sadd.s32 $0xFFFFFEF7, lr;
	s5 =	simm.s32 $0xFFFFFFFF;
	p2 =	slt.u32 s8, $0xFFFFF086  }
0x1c: {  	p1 =	slt.u32 s9, $0xF7A;
	s5 =	simm.s32 @!p2 $0x0  }
0x1d: {  	s5 =	simm.s32 @p1 $0x1;
	p0 =	seq.s32 s7, s2  }
0x1e: {  	s7 =	smul.u32 @!p0 $0xF7A, s2;
	p2 =	seq.s32 @!p0 s5, $0x0  }
0x1f: {  	s9 =	smul.u32 $0xF7A, s1;
	s8 =	simm.s32 @!p0 $0x1BF5;
	p2 =	por !p2, p0  }
0x20: {  	[sflag:s8] =	ssyncset.s32 @!p0 $0xFFFFF086;
	s6 =	sadd.s32 @!p0 s3, s7;
	s7 =	simm.s32 @!p0 $0x108  }
0x21: {  	s3 =	sadd.s32 s3, s9;
	s6 =	sadd.s32 @!p0 $0x88, s6;
	s7 =	simm.s32 @p2 $0x1082  }
0x22: {  	[simem:s7], [sflag:s8] =	dma.local @!p0 [hbm:s6], $0xF7A  }
0x23: {  	s9 =	sor.u32 $0xD0000000, s2;
	s6 =	simm.s32 $0x108;
	_ =	swait.ge @!p0 [sflag:s8], $0x0  }
0x24: {  	s3 =	sadd.s32 $0x88, s3;
	s6 =	simm.s32 @!p1 $0x1082;
	[sflag:s4] =	ssyncset.s32 $0xFFFFF086  }
0x25: {  	[simem:s6], [sflag:s4] =	dma.local [hbm:s3], $0xF7A  }
0x26: {  	[smem:$0x3F94] =	sst s1;
	(tag) =	ssettag s2;
	_ =	strace s9  }
0x27: {  	s1 =	sld [smem:$0x3FA4]  }
0x28: {  	s2 =	sld [smem:$0x3FA5]  }
0x29: {  	s4 =	sld [smem:$0x3FA7]  }
0x2a: {  	p0 =	seq.s32 s5, $0x0;
	s5 =	sld [smem:$0x3FA8]  }
0x2b: {  	s6 =	sld [smem:$0x3FA9]  }
0x2c: {  	s7 =	sld [smem:$0x3FAA]  }
0x2d: {  	s3 =	simm.s32 $0x108;
	s8 =	sld [smem:$0x3FAB]  }
0x2e: {  	s3 =	simm.s32 @!p0 $0x1082;
	s9 =	sld [smem:$0x3FAC]  }
0x2f: {  	lr =	sadd.s32 s0, s3;
	s0 =	sld [smem:$0x3FA3]  }
0x30: {  	s3 =	sld [smem:$0x3FA6]  }
0x31: {  	[smem:$0x3FAF] =	sst s10  }
0x32: {  	s10 =	sld [smem:$0x3FAD];
	_ =	sdelay $0x3  }
0x33: {  	p0 =	seq.s32 s10, $0x1;
	s10 =	sld [smem:$0x3FAF];
	_ =	sdelay $0x3  }
0x34: {  	[smem:$0x3FAF] =	sst s10  }
0x35: {  	s10 =	sld [smem:$0x3FAE];
	_ =	sdelay $0x3  }
0x36: {  	p1 =	seq.s32 s10, $0x1;
	s10 =	sld [smem:$0x3FAF];
	_ =	sdelay $0x3  }
0x37: {  	[smem:$0x3FAF] =	sst s10  }
0x38: {  	s10 =	sld [smem:$0x3FB0]  }
0x39: {  	_ = 	snop;
	(pc) =	sbr.ind lr, $3  }
0x3a: {  	_ = 	snop  }
0x3b: {  	_ = 	snop  }
0x3c: {  	p2 =	seq.s32 s10, $0x1;
	s10 =	sld [smem:$0x3FAF]  }
0x3d: {  	_ =	shalt  }
0x3e: {  	_ =	shalt  }
0x3f: {  	_ =	shalt  }
0x40: {  	_ =	shalt  }
0x41: {  	_ =	shalt  }
0x42: {  	_ =	shalt  }
0x43: {  	_ =	shalt  }
0x44: {  	_ =	shalt  }
0x45: {  	_ =	shalt  }
0x46: {  	_ =	shalt  }
0x47: {  	_ =	shalt  }
0x48: {  	_ =	shalt  }
0x49: {  	_ =	shalt  }
0x4a: {  	_ =	shalt  }
0x4b: {  	_ =	shalt  }
0x4c: {  	_ =	shalt  }
0x4d: {  	_ =	shalt  }
0x4e: {  	_ =	shalt  }
0x4f: {  	_ =	shalt  }
0x50: {  	_ =	shalt  }
0x51: {  	_ =	shalt  }
0x52: {  	_ =	shalt  }
0x53: {  	_ =	shalt  }
0x54: {  	_ =	shalt  }
0x55: {  	_ =	shalt  }
0x56: {  	_ =	shalt  }
0x57: {  	_ =	shalt  }
0x58: {  	_ =	shalt  }
0x59: {  	_ =	shalt  }
0x5a: {  	_ =	shalt  }
0x5b: {  	_ =	shalt  }
0x5c: {  	_ =	shalt  }
0x5d: {  	_ =	shalt  }
0x5e: {  	_ =	shalt  }
0x5f: {  	_ =	shalt  }
0x60: {  	_ =	shalt  }
0x61: {  	_ =	shalt  }
0x62: {  	_ =	shalt  }
0x63: {  	_ =	shalt  }
0x64: {  	_ =	shalt  }
0x65: {  	_ =	shalt  }
0x66: {  	_ =	shalt  }
0x67: {  	_ =	shalt  }
0x68: {  	_ =	shalt  }
0x69: {  	_ =	shalt  }
0x6a: {  	_ =	shalt  }
0x6b: {  	_ =	shalt  }
0x6c: {  	_ =	shalt  }
0x6d: {  	_ =	shalt  }
0x6e: {  	_ =	shalt  }
0x6f: {  	_ =	shalt  }
0x70: {  	_ =	shalt  }
0x71: {  	_ =	shalt  }
0x72: {  	_ =	shalt  }
0x73: {  	_ =	shalt  }
0x74: {  	_ =	shalt  }
0x75: {  	_ =	shalt  }
0x76: {  	_ =	shalt  }
0x77: {  	_ =	shalt  }
0x78: {  	_ =	shalt  }
0x79: {  	_ =	shalt  }
0x7a: {  	_ =	shalt  }
0x7b: {  	_ =	shalt  }
0x7c: {  	_ =	shalt  }
0x7d: {  	_ =	shalt  }
0x7e: {  	_ =	shalt  }
0x7f: {  	_ =	shalt  }
0x80: {  	_ =	shalt  }
0x81: {  	_ =	shalt  }
0x82: {  	_ =	shalt  }
0x83: {  	_ =	shalt  }
0x84: {  	_ =	shalt  }
0x85: {  	_ =	shalt  }
0x86: {  	_ =	shalt  }
0x87: {  	_ =	shalt  }
.Lfunc_end0:
.L_simem_size_0:
called_computation.1_lowered:
.L_overlay_start_0:
0x88: {  	s2 =	sld [smem:$0x3FD9]  }
0x89: {  	s3 =	sld [smem:$0x3FFE];
	_ =	sdelay $0x1  }
0x8a: {  	s1 =	srdreg.scid  }
0x8b: {  	s0 =	sand.u32 $0x1, s1  }
0x8c: {  	s17 =	sshll.u32 s0, $0xA;
	s2 =	sadd.s32 s3, s2  }
0x8d: {  	s2 =	sadd.s32 s2, s17  }
0x8e: {  	[smem:$0x3FBB] =	sst s2  }
0x8f: {  	_ = 	snop  }
0x90: {  	s2 =	sld [smem:$0x3FC6]  }
0x91: {  	s18 =	sld [smem:$0x3FD0];
	(tm) =	ssettm $0x1  }
0x92: {  	s4 =	sld [smem:$0x3FFB];
	_ =	sdelay $0x3  }
0x93: {  	_ =	strace s4  }
0x94: {  	s4 =	sld [smem:$0x3FFC];
	_ =	sdelay $0x3  }
0x95: {  	_ =	strace s4  }
0x96: {  	s4 =	sld [smem:$0x3FFD];
	_ =	sdelay $0x3  }
0x97: {  	_ =	strace s4  }
0x98: {  	_ =	strace $0x8FFFFFFF  }
0x99: {  	s19 =	sld [smem:$0x3FDB];
	_ =	sdelay $0x1  }
0x9a: {  	s5 =	simm.s32 $_scs_section_size  }
0x9b: {  	s6 =	simm.s32 $_size__tile_overlayer_lowered;
	s7 =	simm.s32 $_tile_overlayer_lowered  }
0x9c: {  	s22 =	simm.s32 $0x1BFF;
	s21 =	sshll.u32 s7, $0x1;
	s4 =	sadd.s32 s5, s19  }
0x9d: {  	s8 =	simm.s32 $0x0;
	s20 =	sshll.u32 s6, $0x1;
	s6 =	sadd.s32 s21, s4  }
0x9e: {  	[timem:s8], [sflag:s22] =	dma.local [hbm:s6], s20  }
0x9f: {  	_ =	swait.ge [sflag:s22], s20  }
0xa0: {  	s5 =	ssub.s32 $0x0, s20;
	[sflag:s22] =	ssyncset.done $0x0  }
0xa1: {  	[sflag:s22] =	ssyncadd.s32 s5;
	_ =	sdelay $0x1  }
0xa2: {  	s23 =	simm.s32 $0x1B8B  }
0xa3: {  	_ =	swait.ge [sflag:s23], $0x1  }
0xa4: {  	[sflag:s23] =	ssyncset.done $0x0  }
0xa5: {  	s25 =	simm.s32 $0x1B8E;
	s24 =	sld [smem:$0x3FFE];
	[sflag:s23] =	ssyncadd.s32 $0xFFFFFFFF  }
0xa6: {  	s26 =	simm.s32 $execute0_lowered;
	[smem:$0x3FD2] =	sst s25  }
0xa7: {  	s6 =	sshll.u32 s26, $0x1;
	_ =	strace $0x80000049;
	[dreg:$0x1] =	wrdreg $0xFFFFFFFF  }
0xa8: {  	s28 =	simm.s32 $_size_execute0_lowered;
	s4 =	sadd.s32 s4, s6;
	[dreg:$0x0] =	wrdreg $0x0  }
0xa9: {  	s6 =	sshll.u32 s28, $0x1;
	[dreg:$0x2] =	wrdreg s4  }
0xaa: {  	[dreg:$0x3] =	wrdreg s6  }
0xab: {  	[dreg:$0x4] =	wrdreg $0xC0  }
0xac: {  	_ =	task [dreg:s8], $0x5FFFF  }
0xad: {  	[dreg:$0x1] =	wrdreg $0xFFFFFFFF  }
0xae: {  	[dreg:$0x0] =	wrdreg $0x60  }
0xaf: {  	[dreg:$0x2] =	wrdreg s2  }
0xb0: {  	[dreg:$0x3] =	wrdreg s24  }
0xb1: {  	[dreg:$0x4] =	wrdreg s18  }
0xb2: {  	[dreg:$0x5] =	wrdreg $0x28800  }
0xb3: {  	[dreg:$0x6] =	wrdreg $0x9  }
0xb4: {  	_ =	task.clear_ibuf [dreg:s8], $0x7FFFF;
	_ =	strace $0x90000049  }
0xb5: {  	s29 =	simm.s32 $0x9;
	_ =	strace $0x8000004B  }
0xb6: {  	_ =	swait.ge [sflag:s29], $0x1  }
0xb7: {  	[sflag:s29] =	ssyncadd.s32 $0xFFFFFFFF  }
0xb8: {  	_ =	strace $0x9000004B  }
0xb9: {  	_ =	sfence  }
0xba: {  	s30 =	sld [smem:$0x0];
	_ =	sdelay $0x2  }
0xbb: {  	s31 =	sshll.u32 s1, $0xD;
	s1 =	sshrl.u32 s1, $0x2  }
0xbc: {  	s3 =	sand.u32 $0x4000, s31;
	s1 =	sadd.s32 s1, s30  }
0xbd: {  	s0 =	sor.u32 s3, s0;
	s1 =	sshll.u32 s1, $0x11  }
0xbe: {  	s0 =	sor.u32 s1, s0  }
0xbf: {  	s0 =	sadd.s32 $0x8F2B, s0  }
0xc0: {  	[sflag:s0] =	ssyncadd.remote.s32 $0x1  }
0xc1: {  	_ =	sfence.sel $0xFFFF  }
0xc2: {  	[dreg:$0x0] =	wrdreg $0xFFFFFFFF;
	(pc) =	sbr.abs _section_cstart, $3  }
0xc3: {  	[dreg:$0x1] =	wrdreg $0xFFFFFFFF  }
0xc4: {  	_ =	task.clear_ibuf [dreg:s8], $0x2FFFF;
	_ =	strace $0x9FFFFFFF  }
0xc5: {  	(tm) =	ssettm $0x7FFFFFFF  }
tec
execute0_lowered:
.L_overlay_start_1:
0x0: {  	(tag) =	ssettag $0x1  }
0x1: {  	s9 =	rddreg [dreg:$0x0];
	s3 =	stileid.u32  }
0x2: {  	s5 =	rddreg [dreg:$0x1];
	s10 =	smul.u32 $0x14000, s3  }
0x3: {  	s1 =	rddreg [dreg:$0x2];
	s25 =	smul.u32 $0x50000, s3  }
0x4: {  	s0 =	srdreg.scid;
	s12 =	smul.u32 $0x27100, s3  }
0x5: {  	s2 =	rddreg [dreg:$0x3];
	s6 =	sand.u32 $0x1, s0;
	s14 =	smul.u32 $0x2710, s3  }
0x6: {  	s4 =	simm.s32 $0x0;
	s0 =	rddreg [dreg:$0x4];
	s7 =	smul.u32 $0x271000, s6  }
0x7: {  	[smem:$0x7FF] =	sst s4;
	s29 =	sshll.u32 s3, $0x6;
	s8 =	smul.u32 $0x140000, s6  }
0x8: {  	_ =	strace $0x8000004A;
	s11 =	ssub.s32 $0x2, s6;
	s13 =	smul.u32 $0x27100, s6  }
0x9: {  	s26 =	sshrl.u32 s11, $0x1;
	s28 =	sshrl.u32 s25, $0x2;
	s7 =	sadd.s32 s7, s5  }
0xa: {  	s8 =	sadd.s32 s10, s8;
	s11 =	ssub.s32 s11, s26;
	s15 =	sadd.s32 s28, s2  }
0xb: {  	s31 =	sadd.s32 s14, s13;
	s13 =	simm.s32 $0x50;
	s14 =	simm.s32 $0x0  }
0xc: {  	s8 =	sshrl.u32 s8, $0x3;
	s30 =	sadd.s32 s12, s7;
	s7 =	smax.u32 s11, $0x1  }
0xd: {  	s10 =	sshrl.u32 s31, $0x3;
	s11 =	simm.s32 $0x1;
	s12 =	simm.s32 $0x80  }
0xe: {  	s8 =	sadd.s32 s8, s5;
	s5 =	sor.u32 $0x1C01, s29;
	s9 =	sadd.s32 s10, s9  }
0xf: {  	s10 =	sshrl.u32 s15, $0x3;
	s6 =	sadd.s32 $0x3A00, s8;
	s8 =	sadd.s32 $0x13B2C00, s30  }
.LBB2_1:
0x10: {  	[spmem:s10], [sflag:s5] =	dma.local [hbm:s1], $0x2800  }
0x11: {  	_ =	swait.ge [sflag:s11], $0x2800  }
0x12: {  	[sflag:s11] =	ssyncset.done $0x0  }
0x13: {  	[sflag:s11] =	ssyncadd.s32 $0xFFFFD800  }
0x14: {  	s15 =	sadd.s32 $0x0, s9;
	[bflag:$0x0] =	sbarrier.arrive $0xFFFF  }
0x15: {  	[tilespmem:s4], [sflag:$0x1] =	stream.linear.gather [hbm4b:s15+s4], $0x50, $0x38;
	[tilespmem:$0x16880] =	vst v63  }
0x16: {  	_ =	swait.ge [sflag:s11], $0x50  }
0x17: {  	[sflag:s11] =	ssyncset.done $0x0  }
0x18: {  	[sflag:s11] =	ssyncadd.s32 $0xFFFFFFB0  }
0x19: {  	[tilespmem:s12], [sflag:$0x1] =	stream.linear.gather [hbm4b:s8+s4], $0x2800, $0x38;
	[tilespmem:$0x16880] =	vst v63  }
0x1a: {  	_ =	swait.ge [sflag:s11], $0x2800  }
0x1b: {  	[sflag:s11] =	ssyncset.done $0x0  }
0x1c: {  	[sflag:s11] =	ssyncadd.s32 $0xFFFFD800  }
0x1d: {  	[spmem:s2] =	stream.indirect.scatter.add.f32 [tilespmem:s12], [sflag:$0x1], $0x80, s4, s13, $0xb8;
	[tilespmem:$0x16880] =	vst v63  }
0x1e: {  	s16 =	simm.s32 $0xA;
	_ =	swait.ge [sflag:s11], $0x2800  }
0x1f: {  	s17 =	simm.s32 $0x14;
	s15 =	sadd.s32 $0x500, s8;
	[sflag:s11] =	ssyncset.done $0x0  }
.LBB2_2:
0x20: {  	s18 =	sadd.s32 s16, s9  }
0x21: {  	[sflag:s11] =	ssyncadd.s32 $0xFFFFD800;
	s16 =	smov.u32 s17;
	s19 =	sadd.s32 $0xA, s17  }
0x22: {  	[tilespmem:s4], [sflag:$0x1] =	stream.linear.gather [hbm4b:s18+s4], $0x50, $0x38;
	[tilespmem:$0x16880] =	vst v63  }
0x23: {  	p0 =	sne.s32 s17, $0x4D8;
	_ =	swait.ge [sflag:s11], $0x50  }
0x24: {  	[sflag:s11] =	ssyncset.done $0x0  }
0x25: {  	[sflag:s11] =	ssyncadd.s32 $0xFFFFFFB0  }
0x26: {  	[tilespmem:s12], [sflag:$0x1] =	stream.linear.gather [hbm4b:s15+s4], $0x2800, $0x38;
	[tilespmem:$0x16880] =	vst v63  }
0x27: {  	_ =	swait.ge [sflag:s11], $0x2800  }
.Ltmp0:
0x28: {  	[sflag:s11] =	ssyncset.done $0x0;
	(pc) =	sbr.rel @p0 .LBB2_2-.Ltmp0, $4  }
0x29: {  	[sflag:s11] =	ssyncadd.s32 $0xFFFFD800  }
0x2a: {  	[spmem:s2] =	stream.indirect.scatter.add.f32 [tilespmem:s12], [sflag:$0x1], $0x80, s4, s13, $0xb8;
	[tilespmem:$0x16880] =	vst v63  }
0x2b: {  	_ =	swait.ge [sflag:s11], $0x2800  }
0x2c: {  	s17 =	smov.u32 s19;
	s15 =	sadd.s32 $0x500, s15;
	[sflag:s11] =	ssyncset.done $0x0  }
0x2d: {  	s16 =	sadd.s32 s16, s9;
	[sflag:s11] =	ssyncadd.s32 $0xFFFFD800  }
0x2e: {  	[tilespmem:s4], [sflag:$0x1] =	stream.linear.gather [hbm4b:s16+s4], $0x50, $0x38;
	[tilespmem:$0x16880] =	vst v63  }
0x2f: {  	_ =	swait.ge [sflag:s11], $0x50  }
0x30: {  	[sflag:s11] =	ssyncset.done $0x0  }
0x31: {  	[sflag:s11] =	ssyncadd.s32 $0xFFFFFFB0  }
0x32: {  	[tilespmem:s12], [sflag:$0x1] =	stream.linear.gather [hbm4b:s15+s4], $0x2800, $0x38;
	[tilespmem:$0x16880] =	vst v63  }
0x33: {  	_ =	swait.ge [sflag:s11], $0x2800  }
0x34: {  	[sflag:s11] =	ssyncset.done $0x0  }
0x35: {  	[sflag:s11] =	ssyncadd.s32 $0xFFFFD800  }
0x36: {  	[spmem:s2] =	stream.indirect.scatter.add.f32 [tilespmem:s12], [sflag:$0x1], $0x80, s4, s13, $0xb8;
	[tilespmem:$0x16880] =	vst v63  }
0x37: {  	_ =	swait.ge [sflag:s11], $0x2800  }
0x38: {  	s14 =	sadd.s32 $0x1, s14;
	[sflag:s11] =	ssyncset.done $0x0  }
0x39: {  	p0 =	sne.s32 s14, s7;
	[sflag:s11] =	ssyncadd.s32 $0xFFFFD800  }
.Ltmp1:
0x3a: {  	[bflag:$0x0] =	sbarrier.arrive $0xFFFF;
	(pc) =	sbr.rel @p0 .LBB2_1-.Ltmp1, $4  }
0x3b: {  	[hbm:s6], [sflag:s5] =	dma.local [spmem:s10], $0x2800  }
0x3c: {  	_ =	swait.ge [sflag:s11], $0x2800  }
0x3d: {  	[sflag:s11] =	ssyncset.done $0x0  }
0x3e: {  	[sflag:s11] =	ssyncadd.s32 $0xFFFFD800  }
0x3f: {  	_ =	sfence.sel $0x180000  }
0x40: {  	[bflag:$0x0] =	sbarrier.arrive $0xFFFF  }
0x41: {  	p0 =	sne.s32 s3, $0x0;
	_ =	strace $0x9000004A  }
0x42: {  	s0 =	sadd.s32 @!p0 $0x100000, s0;
	[bflag:$0x2] =	sbarrier.arrive $0xFFFF  }
0x43: {  	[sflag:s0] =	ssyncadd.tile.s32 @!p0 $0x1;
	_ =	shalt  }
.Lfunc_end2:
_tile_overlayer_lowered:
.L_overlay_start_2:
0x44: {  	(tag) =	ssettag $0x2  }
0x45: {  	s0 =	rddreg [dreg:$0x0];
	s2 =	stileid.u32  }
0x46: {  	s1 =	rddreg [dreg:$0x1];
	p0 =	sne.s32 s2, $0x0  }
0x47: {  	s3 =	rddreg [dreg:$0x2];
	[bflag:$0x3] =	sbarrier.arrive $0xFFFF;
	s2 =	simm.s32 @!p0 $0x1C01  }
0x48: {  	[timem:s3], [sflag:s2] =	dma.local @!p0 [hbm:s0], s1  }
0x49: {  	s0 =	simm.s32 @!p0 $0x1  }
0x4a: {  	_ =	swait.ge @!p0 [sflag:s0], s1  }
0x4b: {  	s1 =	ssub.s32 @!p0 $0x0, s1;
	[sflag:s0] =	ssyncset.done @!p0 $0x0  }
0x4c: {  	[sflag:s0] =	ssyncadd.s32 @!p0 s1  }
0x4d: {  	[bflag:$0x3] =	sbarrier.arrive $0xFFFF  }
0x4e: {  	_ =	shalt  }

// kernel: kernel.7.cloned.1.call-start
scs
__scs_entry_jumppad:
0x0: {  	(pc) =	sbr.rel $0x88, $3  }
0x1: {  	(tag) =	ssettag $0x0;
	lr =	simm.s32 $0x1  }
0x2: {  	[smem:$0x3F94] =	sst lr;
	_ =	strace $0xD0000000  }
0x3: {  	_ = 	snop  }
0x4: {  	_ = 	snop  }
0x5: {  	_ = 	snop  }
0x6: {  	_ = 	snop  }
0x7: {  	_ = 	snop  }
__scs_overlays_trampoline_lowered:
0x8: {  	[smem:$0x3FA3] =	sst s0  }
0x9: {  	[smem:$0x3FA4] =	sst s1  }
0xa: {  	[smem:$0x3FA5] =	sst s2  }
0xb: {  	[smem:$0x3FA6] =	sst s3  }
0xc: {  	[smem:$0x3FA7] =	sst s4  }
0xd: {  	[smem:$0x3FA8] =	sst s5  }
0xe: {  	[smem:$0x3FA9] =	sst s6  }
0xf: {  	[smem:$0x3FAA] =	sst s7  }
0x10: {  	[smem:$0x3FAB] =	sst s8  }
0x11: {  	[smem:$0x3FAC] =	sst s9;
	s0 =	simm.s32 @!p0 $0x0  }
0x12: {  	s1 =	sld [smem:$0x3F92];
	s0 =	simm.s32 @p0 $0x1  }
0x13: {  	[smem:$0x3FAD] =	sst s0;
	s0 =	simm.s32 @!p1 $0x0  }
0x14: {  	s2 =	sld [smem:$0x3F91];
	s0 =	simm.s32 @p1 $0x1  }
0x15: {  	[smem:$0x3FAE] =	sst s0;
	s0 =	simm.s32 @!p2 $0x0  }
0x16: {  	s3 =	sld [smem:$0x3FDB];
	s0 =	simm.s32 @p2 $0x1  }
0x17: {  	s4 =	simm.s32 $0x1BF5;
	[smem:$0x3FB0] =	sst s0  }
0x18: {  	s0 =	sld [smem:$0x3F93];
	_ =	swait.ge [sflag:s4], $0x0  }
0x19: {  	s7 =	sld [smem:$0x3F94]  }
0x1a: {  	s8 =	sadd.s32 $0xFFFFE003, lr  }
0x1b: {  	s9 =	sadd.s32 $0xFFFFFEF7, lr;
	s5 =	simm.s32 $0xFFFFFFFF;
	p2 =	slt.u32 s8, $0xFFFFF086  }
0x1c: {  	p1 =	slt.u32 s9, $0xF7A;
	s5 =	simm.s32 @!p2 $0x0  }
0x1d: {  	s5 =	simm.s32 @p1 $0x1;
	p0 =	seq.s32 s7, s2  }
0x1e: {  	s7 =	smul.u32 @!p0 $0xF7A, s2;
	p2 =	seq.s32 @!p0 s5, $0x0  }
0x1f: {  	s9 =	smul.u32 $0xF7A, s1;
	s8 =	simm.s32 @!p0 $0x1BF5;
	p2 =	por !p2, p0  }
0x20: {  	[sflag:s8] =	ssyncset.s32 @!p0 $0xFFFFF086;
	s6 =	sadd.s32 @!p0 s3, s7;
	s7 =	simm.s32 @!p0 $0x108  }
0x21: {  	s3 =	sadd.s32 s3, s9;
	s6 =	sadd.s32 @!p0 $0x88, s6;
	s7 =	simm.s32 @p2 $0x1082  }
0x22: {  	[simem:s7], [sflag:s8] =	dma.local @!p0 [hbm:s6], $0xF7A  }
0x23: {  	s9 =	sor.u32 $0xD0000000, s2;
	s6 =	simm.s32 $0x108;
	_ =	swait.ge @!p0 [sflag:s8], $0x0  }
0x24: {  	s3 =	sadd.s32 $0x88, s3;
	s6 =	simm.s32 @!p1 $0x1082;
	[sflag:s4] =	ssyncset.s32 $0xFFFFF086  }
0x25: {  	[simem:s6], [sflag:s4] =	dma.local [hbm:s3], $0xF7A  }
0x26: {  	[smem:$0x3F94] =	sst s1;
	(tag) =	ssettag s2;
	_ =	strace s9  }
0x27: {  	s1 =	sld [smem:$0x3FA4]  }
0x28: {  	s2 =	sld [smem:$0x3FA5]  }
0x29: {  	s4 =	sld [smem:$0x3FA7]  }
0x2a: {  	p0 =	seq.s32 s5, $0x0;
	s5 =	sld [smem:$0x3FA8]  }
0x2b: {  	s6 =	sld [smem:$0x3FA9]  }
0x2c: {  	s7 =	sld [smem:$0x3FAA]  }
0x2d: {  	s3 =	simm.s32 $0x108;
	s8 =	sld [smem:$0x3FAB]  }
0x2e: {  	s3 =	simm.s32 @!p0 $0x1082;
	s9 =	sld [smem:$0x3FAC]  }
0x2f: {  	lr =	sadd.s32 s0, s3;
	s0 =	sld [smem:$0x3FA3]  }
0x30: {  	s3 =	sld [smem:$0x3FA6]  }
0x31: {  	[smem:$0x3FAF] =	sst s10  }
0x32: {  	s10 =	sld [smem:$0x3FAD];
	_ =	sdelay $0x3  }
0x33: {  	p0 =	seq.s32 s10, $0x1;
	s10 =	sld [smem:$0x3FAF];
	_ =	sdelay $0x3  }
0x34: {  	[smem:$0x3FAF] =	sst s10  }
0x35: {  	s10 =	sld [smem:$0x3FAE];
	_ =	sdelay $0x3  }
0x36: {  	p1 =	seq.s32 s10, $0x1;
	s10 =	sld [smem:$0x3FAF];
	_ =	sdelay $0x3  }
0x37: {  	[smem:$0x3FAF] =	sst s10  }
0x38: {  	s10 =	sld [smem:$0x3FB0]  }
0x39: {  	_ = 	snop;
	(pc) =	sbr.ind lr, $3  }
0x3a: {  	_ = 	snop  }
0x3b: {  	_ = 	snop  }
0x3c: {  	p2 =	seq.s32 s10, $0x1;
	s10 =	sld [smem:$0x3FAF]  }
0x3d: {  	_ =	shalt  }
0x3e: {  	_ =	shalt  }
0x3f: {  	_ =	shalt  }
0x40: {  	_ =	shalt  }
0x41: {  	_ =	shalt  }
0x42: {  	_ =	shalt  }
0x43: {  	_ =	shalt  }
0x44: {  	_ =	shalt  }
0x45: {  	_ =	shalt  }
0x46: {  	_ =	shalt  }
0x47: {  	_ =	shalt  }
0x48: {  	_ =	shalt  }
0x49: {  	_ =	shalt  }
0x4a: {  	_ =	shalt  }
0x4b: {  	_ =	shalt  }
0x4c: {  	_ =	shalt  }
0x4d: {  	_ =	shalt  }
0x4e: {  	_ =	shalt  }
0x4f: {  	_ =	shalt  }
0x50: {  	_ =	shalt  }
0x51: {  	_ =	shalt  }
0x52: {  	_ =	shalt  }
0x53: {  	_ =	shalt  }
0x54: {  	_ =	shalt  }
0x55: {  	_ =	shalt  }
0x56: {  	_ =	shalt  }
0x57: {  	_ =	shalt  }
0x58: {  	_ =	shalt  }
0x59: {  	_ =	shalt  }
0x5a: {  	_ =	shalt  }
0x5b: {  	_ =	shalt  }
0x5c: {  	_ =	shalt  }
0x5d: {  	_ =	shalt  }
0x5e: {  	_ =	shalt  }
0x5f: {  	_ =	shalt  }
0x60: {  	_ =	shalt  }
0x61: {  	_ =	shalt  }
0x62: {  	_ =	shalt  }
0x63: {  	_ =	shalt  }
0x64: {  	_ =	shalt  }
0x65: {  	_ =	shalt  }
0x66: {  	_ =	shalt  }
0x67: {  	_ =	shalt  }
0x68: {  	_ =	shalt  }
0x69: {  	_ =	shalt  }
0x6a: {  	_ =	shalt  }
0x6b: {  	_ =	shalt  }
0x6c: {  	_ =	shalt  }
0x6d: {  	_ =	shalt  }
0x6e: {  	_ =	shalt  }
0x6f: {  	_ =	shalt  }
0x70: {  	_ =	shalt  }
0x71: {  	_ =	shalt  }
0x72: {  	_ =	shalt  }
0x73: {  	_ =	shalt  }
0x74: {  	_ =	shalt  }
0x75: {  	_ =	shalt  }
0x76: {  	_ =	shalt  }
0x77: {  	_ =	shalt  }
0x78: {  	_ =	shalt  }
0x79: {  	_ =	shalt  }
0x7a: {  	_ =	shalt  }
0x7b: {  	_ =	shalt  }
0x7c: {  	_ =	shalt  }
0x7d: {  	_ =	shalt  }
0x7e: {  	_ =	shalt  }
0x7f: {  	_ =	shalt  }
0x80: {  	_ =	shalt  }
0x81: {  	_ =	shalt  }
0x82: {  	_ =	shalt  }
0x83: {  	_ =	shalt  }
0x84: {  	_ =	shalt  }
0x85: {  	_ =	shalt  }
0x86: {  	_ =	shalt  }
0x87: {  	_ =	shalt  }
.Lfunc_end0:
.L_simem_size_0:
called_computation_lowered:
.L_overlay_start_0:
0x88: {  	s2 =	sld [smem:$0x3FD9]  }
0x89: {  	s3 =	sld [smem:$0x3FFE];
	_ =	sdelay $0x1  }
0x8a: {  	s1 =	srdreg.scid  }
0x8b: {  	s0 =	sand.u32 $0x1, s1  }
0x8c: {  	s17 =	sshll.u32 s0, $0xA;
	s2 =	sadd.s32 s3, s2  }
0x8d: {  	s2 =	sadd.s32 s2, s17  }
0x8e: {  	[smem:$0x3FBB] =	sst s2  }
0x8f: {  	_ = 	snop  }
0x90: {  	s2 =	sld [smem:$0x3FC7]  }
0x91: {  	s18 =	sld [smem:$0x3FC6]  }
0x92: {  	s4 =	sld [smem:$0x3FD0];
	(tm) =	ssettm $0x1  }
0x93: {  	s5 =	sld [smem:$0x3FFB];
	_ =	sdelay $0x3  }
0x94: {  	_ =	strace s5  }
0x95: {  	s5 =	sld [smem:$0x3FFC];
	_ =	sdelay $0x3  }
0x96: {  	_ =	strace s5  }
0x97: {  	s5 =	sld [smem:$0x3FFD];
	_ =	sdelay $0x3  }
0x98: {  	_ =	strace s5  }
0x99: {  	_ =	strace $0x8FFFFFFF  }
0x9a: {  	s19 =	sld [smem:$0x3FDB];
	_ =	sdelay $0x1  }
0x9b: {  	s6 =	simm.s32 $_scs_section_size  }
0x9c: {  	s7 =	simm.s32 $_size__tile_overlayer_lowered;
	s8 =	simm.s32 $_tile_overlayer_lowered  }
0x9d: {  	s22 =	simm.s32 $0x1BFF;
	s21 =	sshll.u32 s8, $0x1;
	s5 =	sadd.s32 s6, s19  }
0x9e: {  	s9 =	simm.s32 $0x0;
	s20 =	sshll.u32 s7, $0x1;
	s7 =	sadd.s32 s21, s5  }
0x9f: {  	[timem:s9], [sflag:s22] =	dma.local [hbm:s7], s20  }
0xa0: {  	_ =	swait.ge [sflag:s22], s20  }
0xa1: {  	s6 =	ssub.s32 $0x0, s20;
	[sflag:s22] =	ssyncset.done $0x0  }
0xa2: {  	[sflag:s22] =	ssyncadd.s32 s6;
	_ =	sdelay $0x1  }
0xa3: {  	s23 =	simm.s32 $0x1B8B  }
0xa4: {  	_ =	swait.ge [sflag:s23], $0x1  }
0xa5: {  	[sflag:s23] =	ssyncset.done $0x0  }
0xa6: {  	s25 =	simm.s32 $0x1B8E;
	s24 =	sld [smem:$0x3FFE];
	[sflag:s23] =	ssyncadd.s32 $0xFFFFFFFF  }
0xa7: {  	s26 =	simm.s32 $execute0_lowered;
	[smem:$0x3FD2] =	sst s25  }
0xa8: {  	s7 =	sshll.u32 s26, $0x1;
	_ =	strace $0x80000046;
	[dreg:$0x1] =	wrdreg $0xFFFFFFFF  }
0xa9: {  	s28 =	simm.s32 $_size_execute0_lowered;
	s5 =	sadd.s32 s5, s7;
	[dreg:$0x0] =	wrdreg $0x0  }
0xaa: {  	s7 =	sshll.u32 s28, $0x1;
	[dreg:$0x2] =	wrdreg s5  }
0xab: {  	[dreg:$0x3] =	wrdreg s7  }
0xac: {  	[dreg:$0x4] =	wrdreg $0xC0  }
0xad: {  	_ =	task [dreg:s9], $0x5FFFF  }
0xae: {  	[dreg:$0x1] =	wrdreg $0xFFFFFFFF  }
0xaf: {  	[dreg:$0x0] =	wrdreg $0x60  }
0xb0: {  	[dreg:$0x2] =	wrdreg s4  }
0xb1: {  	[dreg:$0x3] =	wrdreg s24  }
0xb2: {  	[dreg:$0x4] =	wrdreg s2  }
0xb3: {  	[dreg:$0x5] =	wrdreg s18  }
0xb4: {  	[dreg:$0x6] =	wrdreg $0x9  }
0xb5: {  	_ =	task.clear_ibuf [dreg:s9], $0x7FFFF;
	_ =	strace $0x90000046  }
0xb6: {  	s29 =	simm.s32 $0x9;
	_ =	strace $0x80000048  }
0xb7: {  	_ =	swait.ge [sflag:s29], $0x1  }
0xb8: {  	[sflag:s29] =	ssyncadd.s32 $0xFFFFFFFF  }
0xb9: {  	_ =	strace $0x90000048  }
0xba: {  	_ =	sfence  }
0xbb: {  	s30 =	sld [smem:$0x0];
	_ =	sdelay $0x2  }
0xbc: {  	s31 =	sshll.u32 s1, $0xD;
	s1 =	sshrl.u32 s1, $0x2  }
0xbd: {  	s3 =	sand.u32 $0x4000, s31;
	s1 =	sadd.s32 s1, s30  }
0xbe: {  	s0 =	sor.u32 s3, s0;
	s1 =	sshll.u32 s1, $0x11  }
0xbf: {  	s0 =	sor.u32 s1, s0  }
0xc0: {  	s0 =	sadd.s32 $0x8F2B, s0  }
0xc1: {  	[sflag:s0] =	ssyncadd.remote.s32 $0x1  }
0xc2: {  	_ =	sfence.sel $0xFFFF  }
0xc3: {  	[dreg:$0x0] =	wrdreg $0xFFFFFFFF;
	(pc) =	sbr.abs _section_cstart, $3  }
0xc4: {  	[dreg:$0x1] =	wrdreg $0xFFFFFFFF  }
0xc5: {  	_ =	task.clear_ibuf [dreg:s9], $0x2FFFF;
	_ =	strace $0x9FFFFFFF  }
0xc6: {  	(tm) =	ssettm $0x7FFFFFFF  }
0xc7: {  	_ =	shalt  }
tec
execute0_lowered:
.L_overlay_start_1:
0x0: {  	(tag) =	ssettag $0x1  }
0x1: {  	s1 =	rddreg [dreg:$0x0]  }
0x2: {  	s5 =	rddreg [dreg:$0x1]  }
0x3: {  	s9 =	rddreg [dreg:$0x2];
	s0 =	stileid.u32  }
0x4: {  	s2 =	srdreg.scid;
	s8 =	rddreg [dreg:$0x3];
	s3 =	simm.s32 $0x0  }
0x5: {  	s13 =	simm.s32 $0x100;
	s14 =	simm.s32 $0x2900;
	s6 =	smul.u32 $0x4E200, s0  }
0x6: {  	s4 =	sand.u32 $0x1, s2;
	s2 =	rddreg [dreg:$0x4];
	s10 =	smul.u32 $0x4E20, s0  }
0x7: {  	s15 =	simm.s32 $0x0;
	[smem:$0x7FF] =	sst s3;
	s7 =	smul.u32 $0x27100, s4  }
0x8: {  	_ =	strace $0x80000047;
	s11 =	ssub.s32 $0x2, s4;
	s12 =	smul.u32 $0x2710, s4  }
0x9: {  	s4 =	sadd.s32 $0x3A00, s5;
	s5 =	sadd.s32 s6, s5;
	s31 =	sshrl.u32 s11, $0x1  }
0xa: {  	s6 =	ssub.s32 s11, s31;
	s7 =	sadd.s32 s7, s5;
	s10 =	sadd.s32 s12, s10  }
0xb: {  	s11 =	simm.s32 $0x80;
	s12 =	simm.s32 $0x50;
	s5 =	smax.u32 s6, $0x1  }
0xc: {  	s6 =	sadd.s32 $0x2AC00, s7;
	s10 =	sshrl.u32 s10, $0x3;
	s7 =	sadd.s32 $0x50CC00, s7  }
0xd: {  	s8 =	sadd.s32 s10, s8;
	s9 =	sadd.s32 s10, s9;
	s10 =	simm.s32 $0x1  }
.LBB2_1:
0xe: {  	s16 =	sadd.s32 $0x0, s9  }
0xf: {  	[tilespmem:s3], [sflag:$0x1] =	stream.linear.gather [hbm4b:s16+s3], $0x50, $0x38;
	[tilespmem:$0x5100] =	vst v63  }
0x10: {  	_ =	swait.ge [sflag:s10], $0x50  }
0x11: {  	[sflag:s10] =	ssyncset.done $0x0  }
0x12: {  	s31 =	sadd.s32 $0x0, s8;
	[sflag:s10] =	ssyncadd.s32 $0xFFFFFFB0  }
0x13: {  	[tilespmem:s11], [sflag:$0x1] =	stream.linear.gather [hbm4b:s31+s3], $0x50, $0x38;
	[tilespmem:$0x5100] =	vst v63  }
0x14: {  	_ =	swait.ge [sflag:s10], $0x50  }
0x15: {  	[sflag:s10] =	ssyncset.done $0x0  }
0x16: {  	[sflag:s10] =	ssyncadd.s32 $0xFFFFFFB0  }
0x17: {  	[tilespmem:s13], [sflag:$0x1] =	stream.indirect.gather [hbm4b:s1+s12], $0x80, s3, s12, $0xb8;
	[tilespmem:$0x5100] =	vst v63  }
0x18: {  	_ =	swait.ge [sflag:s10], $0x2800  }
0x19: {  	[sflag:s10] =	ssyncset.done $0x0  }
0x1a: {  	[sflag:s10] =	ssyncadd.s32 $0xFFFFD800  }
0x1b: {  	[tilespmem:s14], [sflag:$0x1] =	stream.indirect.gather [hbm4b:s4+s12], $0x80, s11, s12, $0xb8;
	[tilespmem:$0x5100] =	vst v63  }
0x1c: {  	_ =	swait.ge [sflag:s10], $0x2800  }
0x1d: {  	[sflag:s10] =	ssyncset.done $0x0  }
0x1e: {  	[sflag:s10] =	ssyncadd.s32 $0xFFFFD800  }
0x1f: {  	[hbm4b:s6+s3] =	stream.linear.scatter [tilespmem:s13], [sflag:$0x1], $0x2800, $0x38;
	[tilespmem:$0x5100] =	vst v63  }
0x20: {  	_ =	swait.ge [sflag:s10], $0x2800  }
0x21: {  	[sflag:s10] =	ssyncset.done $0x0  }
0x22: {  	[sflag:s10] =	ssyncadd.s32 $0xFFFFD800  }
0x23: {  	[hbm4b:s7+s3] =	stream.linear.scatter [tilespmem:s14], [sflag:$0x1], $0x2800, $0x38;
	[tilespmem:$0x5100] =	vst v63  }
0x24: {  	s18 =	simm.s32 $0xA;
	s19 =	simm.s32 $0x14;
	_ =	swait.ge [sflag:s10], $0x2800  }
0x25: {  	s17 =	sadd.s32 $0x500, s6;
	s16 =	sadd.s32 $0x500, s7;
	[sflag:s10] =	ssyncset.done $0x0  }
.LBB2_2:
0x26: {  	s20 =	sadd.s32 s18, s9  }
0x27: {  	[sflag:s10] =	ssyncadd.s32 $0xFFFFD800;
	s21 =	smov.u32 s19;
	s22 =	sadd.s32 $0xA, s19  }
0x28: {  	[tilespmem:s3], [sflag:$0x1] =	stream.linear.gather [hbm4b:s20+s3], $0x50, $0x38;
	[tilespmem:$0x5100] =	vst v63  }
0x29: {  	p0 =	sne.s32 s19, $0x4D8;
	_ =	swait.ge [sflag:s10], $0x50  }
0x2a: {  	[sflag:s10] =	ssyncset.done $0x0  }
0x2b: {  	s19 =	sadd.s32 s18, s8;
	s18 =	smov.u32 s21;
	[sflag:s10] =	ssyncadd.s32 $0xFFFFFFB0  }
0x2c: {  	[tilespmem:s11], [sflag:$0x1] =	stream.linear.gather [hbm4b:s19+s3], $0x50, $0x38;
	[tilespmem:$0x5100] =	vst v63  }
0x2d: {  	_ =	swait.ge [sflag:s10], $0x50  }
0x2e: {  	[sflag:s10] =	ssyncset.done $0x0  }
0x2f: {  	[sflag:s10] =	ssyncadd.s32 $0xFFFFFFB0  }
0x30: {  	[tilespmem:s13], [sflag:$0x1] =	stream.indirect.gather [hbm4b:s1+s12], $0x80, s3, s12, $0xb8;
	[tilespmem:$0x5100] =	vst v63  }
0x31: {  	_ =	swait.ge [sflag:s10], $0x2800  }
0x32: {  	[sflag:s10] =	ssyncset.done $0x0  }
0x33: {  	[sflag:s10] =	ssyncadd.s32 $0xFFFFD800  }
0x34: {  	[tilespmem:s14], [sflag:$0x1] =	stream.indirect.gather [hbm4b:s4+s12], $0x80, s11, s12, $0xb8;
	[tilespmem:$0x5100] =	vst v63  }
0x35: {  	_ =	swait.ge [sflag:s10], $0x2800  }
0x36: {  	[sflag:s10] =	ssyncset.done $0x0  }
0x37: {  	[sflag:s10] =	ssyncadd.s32 $0xFFFFD800  }
0x38: {  	[hbm4b:s17+s3] =	stream.linear.scatter [tilespmem:s13], [sflag:$0x1], $0x2800, $0x38;
	[tilespmem:$0x5100] =	vst v63  }
0x39: {  	_ =	swait.ge [sflag:s10], $0x2800  }
.Ltmp0:
0x3a: {  	[sflag:s10] =	ssyncset.done $0x0;
	(pc) =	sbr.rel @p0 .LBB2_2-.Ltmp0, $4  }
0x3b: {  	[sflag:s10] =	ssyncadd.s32 $0xFFFFD800  }
0x3c: {  	[hbm4b:s16+s3] =	stream.linear.scatter [tilespmem:s14], [sflag:$0x1], $0x2800, $0x38;
	[tilespmem:$0x5100] =	vst v63  }
0x3d: {  	s19 =	smov.u32 s22;
	_ =	swait.ge [sflag:s10], $0x2800  }
0x3e: {  	s17 =	sadd.s32 $0x500, s17;
	s16 =	sadd.s32 $0x500, s16;
	[sflag:s10] =	ssyncset.done $0x0  }
0x3f: {  	s19 =	sadd.s32 s18, s9;
	[sflag:s10] =	ssyncadd.s32 $0xFFFFD800  }
0x40: {  	[tilespmem:s3], [sflag:$0x1] =	stream.linear.gather [hbm4b:s19+s3], $0x50, $0x38;
	[tilespmem:$0x5100] =	vst v63  }
0x41: {  	_ =	swait.ge [sflag:s10], $0x50  }
0x42: {  	[sflag:s10] =	ssyncset.done $0x0  }
0x43: {  	s31 =	sadd.s32 s18, s8;
	[sflag:s10] =	ssyncadd.s32 $0xFFFFFFB0  }
0x44: {  	[tilespmem:s11], [sflag:$0x1] =	stream.linear.gather [hbm4b:s31+s3], $0x50, $0x38;
	[tilespmem:$0x5100] =	vst v63  }
0x45: {  	_ =	swait.ge [sflag:s10], $0x50  }
0x46: {  	[sflag:s10] =	ssyncset.done $0x0  }
0x47: {  	[sflag:s10] =	ssyncadd.s32 $0xFFFFFFB0  }
0x48: {  	[tilespmem:s13], [sflag:$0x1] =	stream.indirect.gather [hbm4b:s1+s12], $0x80, s3, s12, $0xb8;
	[tilespmem:$0x5100] =	vst v63  }
0x49: {  	_ =	swait.ge [sflag:s10], $0x2800  }
0x4a: {  	[sflag:s10] =	ssyncset.done $0x0  }
0x4b: {  	[sflag:s10] =	ssyncadd.s32 $0xFFFFD800  }
0x4c: {  	[tilespmem:s14], [sflag:$0x1] =	stream.indirect.gather [hbm4b:s4+s12], $0x80, s11, s12, $0xb8;
	[tilespmem:$0x5100] =	vst v63  }
0x4d: {  	_ =	swait.ge [sflag:s10], $0x2800  }
0x4e: {  	[sflag:s10] =	ssyncset.done $0x0  }
0x4f: {  	[sflag:s10] =	ssyncadd.s32 $0xFFFFD800  }
0x50: {  	[hbm4b:s17+s3] =	stream.linear.scatter [tilespmem:s13], [sflag:$0x1], $0x2800, $0x38;
	[tilespmem:$0x5100] =	vst v63  }
0x51: {  	s15 =	sadd.s32 $0x1, s15;
	_ =	swait.ge [sflag:s10], $0x2800  }
0x52: {  	p0 =	sne.s32 s15, s5;
	[sflag:s10] =	ssyncset.done $0x0  }
.Ltmp1:
0x53: {  	[sflag:s10] =	ssyncadd.s32 $0xFFFFD800;
	(pc) =	sbr.rel @p0 .LBB2_1-.Ltmp1, $4  }
0x54: {  	[hbm4b:s16+s3] =	stream.linear.scatter [tilespmem:s14], [sflag:$0x1], $0x2800, $0x38;
	[tilespmem:$0x5100] =	vst v63  }
0x55: {  	_ =	swait.ge [sflag:s10], $0x2800  }
0x56: {  	[sflag:s10] =	ssyncset.done $0x0  }
0x57: {  	[sflag:s10] =	ssyncadd.s32 $0xFFFFD800  }
0x58: {  	_ =	sfence.sel $0x180000  }
0x59: {  	[bflag:$0x0] =	sbarrier.arrive $0xFFFF  }
0x5a: {  	p0 =	sne.s32 s0, $0x0;
	_ =	strace $0x90000047  }
0x5b: {  	s0 =	sadd.s32 @!p0 $0x100000, s2;
	[bflag:$0x2] =	sbarrier.arrive $0xFFFF  }
0x5c: {  	[sflag:s0] =	ssyncadd.tile.s32 @!p0 $0x1;
	_ =	shalt  }
.Lfunc_end2:
_tile_overlayer_lowered:
.L_overlay_start_2:
0x5d: {  	(tag) =	ssettag $0x2  }
0x5e: {  	s0 =	rddreg [dreg:$0x0];
	s2 =	stileid.u32  }
0x5f: {  	s1 =	rddreg [dreg:$0x1];
	p0 =	sne.s32 s2, $0x0  }
0x60: {  	s3 =	rddreg [dreg:$0x2];
	[bflag:$0x3] =	sbarrier.arrive $0xFFFF;
	s2 =	simm.s32 @!p0 $0x1C01  }
0x61: {  	[timem:s3], [sflag:s2] =	dma.local @!p0 [hbm:s0], s1  }
0x62: {  	s0 =	simm.s32 @!p0 $0x1  }
0x63: {  	_ =	swait.ge @!p0 [sflag:s0], s1  }
0x64: {  	s1 =	ssub.s32 @!p0 $0x0, s1;
	[sflag:s0] =	ssyncset.done @!p0 $0x0  }
0x65: {  	[sflag:s0] =	ssyncadd.s32 @!p0 s1  }
0x66: {  	[bflag:$0x3] =	sbarrier.arrive $0xFFFF  }
0x67: {  	_ =	shalt  }

</sc_bundles>
